<compile_context>
chip_gen: v7x
topology: tpu7x:2x2x1
jax: 0.10.2.dev20260603
libtpu: 0.0.44.dev20260713+nightly
codegen_flags: <defaults>
</compile_context>

<pallas_src>
import functools

import jax
import jax.numpy as jnp
from jax import lax
from jax.experimental import pallas as pl
from jax.experimental.pallas import tpu as pltpu
from jax.experimental.pallas import tpu_sc as plsc

VOCAB_P1 = 100001
EMB = 32
LEN_SEQ = 4
MAP_H = 16
MAP_W = 16
SEQ_SIZE = 20
BATCH = 32

PAIRS = BATCH * LEN_SEQ
SEGS_PER_PAIR = MAP_H * MAP_W
IDX_PER_PAIR = SEGS_PER_PAIR * SEQ_SIZE
NW = 32
PAIRS_PER_W = PAIRS // NW
IDX_ROW = 128
ROWS_PER_CHUNK = 640
SEGS_PER_CHUNK = ROWS_PER_CHUNK // SEQ_SIZE
CHUNKS = IDX_PER_PAIR // ROWS_PER_CHUNK
GATHERS_PER_CHUNK = ROWS_PER_CHUNK // IDX_ROW


def _tree_sum(vals):
    while len(vals) > 1:
        nxt = [vals[i] + vals[i + 1] for i in range(0, len(vals) - 1, 2)]
        if len(vals) % 2:
            nxt.append(vals[-1])
        vals = nxt
    return vals[0]


def _sc_body(x_hbm, emb_hbm, out_hbm, idx_v, rows_v, acc_v, sem):
    wid = lax.axis_index("s") * 2 + lax.axis_index("c")
    gchunks = PAIRS_PER_W * CHUNKS

    def chunk_copies(g, buf):
        cps = []
        for j in range(GATHERS_PER_CHUNK):
            cps.append(
                pltpu.make_async_copy(
                    emb_hbm.at[
                        idx_v.at[
                            g >> 3,
                            pl.ds(((g & 7) * GATHERS_PER_CHUNK + j) * IDX_ROW, IDX_ROW),
                        ]
                    ],
                    rows_v.at[buf, pl.ds(j * IDX_ROW, IDX_ROW)],
                    sem,
                )
            )
        return cps

    pltpu.sync_copy(x_hbm.at[pl.ds(wid * PAIRS_PER_W, PAIRS_PER_W)], idx_v)
    for cp in chunk_copies(0, 0):
        cp.start()

    def g_body(g, _):
        buf = g & 1
        pltpu.make_async_copy(
            emb_hbm.at[pl.ds(0, ROWS_PER_CHUNK)], rows_v.at[buf], sem
        ).wait()

        @pl.when(g + 1 < gchunks)
        def _():
            for cp in chunk_copies(g + 1, 1 - buf):
                cp.start()

        @plsc.parallel_loop(0, SEGS_PER_CHUNK, unroll=4)
        def seg_body(s):
            base = s * SEQ_SIZE
            a0 = _tree_sum(
                [rows_v[buf, base + k, pl.ds(0, 16)] for k in range(SEQ_SIZE)]
            )
            a1 = _tree_sum(
                [rows_v[buf, base + k, pl.ds(16, 16)] for k in range(SEQ_SIZE)]
            )
            seg = (g & 7) * SEGS_PER_CHUNK + s
            acc_v[seg, pl.ds(0, 16)] = a0
            acc_v[seg, pl.ds(16, 16)] = a1

        @pl.when((g & 7) == 7)
        def _():
            pi = g >> 3
            pltpu.sync_copy(acc_v, out_hbm.at[wid, :, pl.ds(pi * EMB, EMB)])

        return 0

    lax.fori_loop(0, gchunks, g_body, 0)


@functools.partial(jax.jit, static_argnames=())
def kernel(x, embeddings):
    x = x.astype(jnp.int32).reshape(PAIRS, IDX_PER_PAIR)
    mesh = plsc.VectorSubcoreMesh(core_axis_name="c", subcore_axis_name="s")
    out = pl.kernel(
        _sc_body,
        mesh=mesh,
        compiler_params=pltpu.CompilerParams(
            needs_layout_passes=False, use_tc_tiling_on_sc=False
        ),
        out_type=jax.ShapeDtypeStruct(
            (BATCH, SEGS_PER_PAIR, LEN_SEQ * EMB), jnp.float32
        ),
        scratch_types=[
            pltpu.VMEM((PAIRS_PER_W, IDX_PER_PAIR), jnp.int32),
            pltpu.VMEM((2, ROWS_PER_CHUNK, EMB), jnp.float32),
            pltpu.VMEM((SEGS_PER_PAIR, EMB), jnp.float32),
            pltpu.SemaphoreType.DMA,
        ],
    )(x, embeddings)
    return out.reshape(BATCH, MAP_H, MAP_W, LEN_SEQ * EMB).transpose(0, 3, 1, 2)

# --- scband reference (transcript-rebuilt; emitter-appended) ---
"""Pipeline reference for scband-tweet-rep-22136261443663 (READ-ONLY COPY).

The authoritative reference and input builder live on the scoring server;
editing this copy changes nothing except your own understanding.
"""

import jax, jax.numpy as jnp
import numpy as np

VOCAB_SIZE = 100000
EMB = 32
LEN_SEQ = 4
MAP_H = 16
MAP_W = 16
SEQ_SIZE = 20
BATCH = 32


def setup_inputs(seed: int = 0) -> dict:
    key = jax.random.key(seed)
    k1, k2 = jax.random.split(key)
    x = jax.random.randint(k1, (BATCH, LEN_SEQ, MAP_H, MAP_W, SEQ_SIZE), 0, VOCAB_SIZE + 1, dtype=jnp.int64 if jax.config.jax_enable_x64 else jnp.int32).astype(jnp.int32)
    # embedding table: (vocab_size + 1, embedding_size), row 0 zeroed (padding)
    embeddings = jax.random.uniform(k2, (VOCAB_SIZE + 1, EMB), dtype=jnp.float32)
    embeddings = embeddings.at[0].set(0.0)
    return {"x": x, "embeddings": embeddings}


def reference(x, embeddings):
    x = x.astype(jnp.int32)
    # gather
    W = jnp.take(embeddings, x, axis=0)
    W = W.reshape(-1, LEN_SEQ, MAP_H, MAP_W, SEQ_SIZE, EMB)
    # sum_type == 'simple': sum over seq_size axis
    V = jnp.sum(W, axis=-2)
    # reduce_index_dims == False branch
    inverted = jnp.transpose(V, (0, 1, 4, 2, 3))
    out = inverted.reshape(-1, EMB * LEN_SEQ, MAP_H, MAP_W)
    return out

if __name__ == "__main__":
    import jax
    _d = setup_inputs()
    print(jax.jit(kernel)(*tuple(_d.values())))

</pallas_src>

<mosaic_0001>
#map = affine_map<(d0, d1) -> (0, 0)>
#map1 = affine_map<(d0, d1) -> (0, 0, 0)>
module attributes {stable_mosaic.version = 14 : i64} {
  func.func @_sc_body(%arg0: i32, %arg1: i32, %arg2: memref<128x5120xi32, #tpu.memory_space<hbm>>, %arg3: memref<100001x32xf32, #tpu.memory_space<hbm>>, %arg4: memref<32x256x128xf32, #tpu.memory_space<hbm>>, %arg5: memref<4x5120xi32, #tpu.memory_space<vmem>>, %arg6: memref<2x640x32xf32, #tpu.memory_space<vmem>>, %arg7: memref<256x32xf32, #tpu.memory_space<vmem>>, %arg8: memref<!tpu.dma_semaphore, #tpu.memory_space<semaphore_mem>>) attributes {dimension_semantics = [#tpu.dimension_semantics<core_parallel>, #tpu.dimension_semantics<subcore_parallel>], iteration_bounds = array<i64: 2, 16>, scalar_prefetch = 0 : i64, scratch_operands = 4 : i64, tpu.core_type = #tpu.core_type<sc_vector_subcore>, window_params = [{transform_indices = #map}, {transform_indices = #map}, {transform_indices = #map1}]} {
    %mul3A = arith.constant 2 : i32
    %mul3A_0 = arith.muli %arg1, %mul3A : i32
    %add3A = arith.addi %mul3A_0, %arg0 : i32
    %mul3A_1 = arith.constant 4 : i32
    %mul3A_2 = arith.muli %add3A, %mul3A_1 : i32
    "tpu.region"() ({
      %run_scoped3A = tpu.sem_alloc : memref<!tpu.dma_semaphore, #tpu.memory_space<semaphore_mem>>
      %dma_start3A_68 = arith.constant 0 : i32
      %dma_start3A_69 = tpu.memref_slice %arg2[%mul3A_2, %dma_start3A_68] : memref<128x5120xi32, #tpu.memory_space<hbm>> -> memref<4x5120xi32, #tpu.memory_space<hbm>>
      %dma_start3A_70 = arith.constant 0 : i32
      %dma_start3A_71 = tpu.memref_slice %arg2[%mul3A_2, %dma_start3A_70] : memref<128x5120xi32, #tpu.memory_space<hbm>> -> memref<4x5120xi32, #tpu.memory_space<hbm>>
      tpu.enqueue_dma source(%dma_start3A_71 : memref<4x5120xi32, #tpu.memory_space<hbm>>) target(%arg5 : memref<4x5120xi32, #tpu.memory_space<vmem>>) target_semaphore(%run_scoped3A : memref<!tpu.dma_semaphore, #tpu.memory_space<semaphore_mem>>)
      %dma_wait3A = arith.constant 0 : i32
      %dma_wait3A_72 = tpu.memref_slice %arg2[%mul3A_2, %dma_wait3A] : memref<128x5120xi32, #tpu.memory_space<hbm>> -> memref<4x5120xi32, #tpu.memory_space<hbm>>
      %dma_wait3A_73 = arith.constant 0 : i32
      %dma_wait3A_74 = tpu.memref_slice %arg2[%mul3A_2, %dma_wait3A_73] : memref<128x5120xi32, #tpu.memory_space<hbm>> -> memref<4x5120xi32, #tpu.memory_space<hbm>>
      tpu.wait_dma2 semaphore(%run_scoped3A : memref<!tpu.dma_semaphore, #tpu.memory_space<semaphore_mem>>) src(%dma_wait3A_74 : memref<4x5120xi32, #tpu.memory_space<hbm>>) dst(%arg5 : memref<4x5120xi32, #tpu.memory_space<vmem>>)
      tpu.yield
    }) : () -> ()
    %dma_start3A = arith.constant 0 : i32
    %dma_start3A_3 = arith.constant 0 : i32
    %dma_start3A_4 = arith.constant 0 : i32
    %dma_start3A_5 = arith.constant 0 : i32
    %dma_start3A_6 = tpu.memref_slice %arg6[%dma_start3A_3, %dma_start3A_4, %dma_start3A_5] : memref<2x640x32xf32, #tpu.memory_space<vmem>> -> memref<1x128x32xf32, #tpu.memory_space<vmem>>
    %dma_start3A_7 = tpu.memref_squeeze %dma_start3A_6 : memref<1x128x32xf32, #tpu.memory_space<vmem>> -> memref<128x32xf32, #tpu.memory_space<vmem>>
    %dma_start3A_8 = arith.constant 0 : i32
    %dma_start3A_9 = tpu.memref_slice %arg5[%dma_start3A, %dma_start3A_8] : memref<4x5120xi32, #tpu.memory_space<vmem>> -> memref<1x128xi32, #tpu.memory_space<vmem>>
    %dma_start3A_10 = tpu.memref_squeeze %dma_start3A_9 : memref<1x128xi32, #tpu.memory_space<vmem>> -> memref<128xi32, #tpu.memory_space<vmem>>
    %dma_start3A_11 = arith.constant 0 : i32
    %dma_start3A_12 = arith.constant 0 : i32
    %dma_start3A_13 = tpu.memref_slice %arg3[%dma_start3A_11, %dma_start3A_12] : memref<100001x32xf32, #tpu.memory_space<hbm>> -> memref<100001x32xf32, #tpu.memory_space<hbm>>
    tpu.enqueue_indirect_dma source(%dma_start3A_13 : memref<100001x32xf32, #tpu.memory_space<hbm>>) target(%dma_start3A_7 : memref<128x32xf32, #tpu.memory_space<vmem>>) offsets(%dma_start3A_10 : memref<128xi32, #tpu.memory_space<vmem>>) semaphore(%arg8 : memref<!tpu.dma_semaphore, #tpu.memory_space<semaphore_mem>>)
    %dma_start3A_14 = arith.constant 0 : i32
    %dma_start3A_15 = arith.constant 0 : i32
    %dma_start3A_16 = arith.constant 128 : i32
    %dma_start3A_17 = arith.constant 0 : i32
    %dma_start3A_18 = tpu.memref_slice %arg6[%dma_start3A_15, %dma_start3A_16, %dma_start3A_17] : memref<2x640x32xf32, #tpu.memory_space<vmem>> -> memref<1x128x32xf32, #tpu.memory_space<vmem>>
    %dma_start3A_19 = tpu.memref_squeeze %dma_start3A_18 : memref<1x128x32xf32, #tpu.memory_space<vmem>> -> memref<128x32xf32, #tpu.memory_space<vmem>>
    %dma_start3A_20 = arith.constant 128 : i32
    %dma_start3A_21 = tpu.memref_slice %arg5[%dma_start3A_14, %dma_start3A_20] : memref<4x5120xi32, #tpu.memory_space<vmem>> -> memref<1x128xi32, #tpu.memory_space<vmem>>
    %dma_start3A_22 = tpu.memref_squeeze %dma_start3A_21 : memref<1x128xi32, #tpu.memory_space<vmem>> -> memref<128xi32, #tpu.memory_space<vmem>>
    %dma_start3A_23 = arith.constant 0 : i32
    %dma_start3A_24 = arith.constant 0 : i32
    %dma_start3A_25 = tpu.memref_slice %arg3[%dma_start3A_23, %dma_start3A_24] : memref<100001x32xf32, #tpu.memory_space<hbm>> -> memref<100001x32xf32, #tpu.memory_space<hbm>>
    tpu.enqueue_indirect_dma source(%dma_start3A_25 : memref<100001x32xf32, #tpu.memory_space<hbm>>) target(%dma_start3A_19 : memref<128x32xf32, #tpu.memory_space<vmem>>) offsets(%dma_start3A_22 : memref<128xi32, #tpu.memory_space<vmem>>) semaphore(%arg8 : memref<!tpu.dma_semaphore, #tpu.memory_space<semaphore_mem>>)
    %dma_start3A_26 = arith.constant 0 : i32
    %dma_start3A_27 = arith.constant 0 : i32
    %dma_start3A_28 = arith.constant 256 : i32
    %dma_start3A_29 = arith.constant 0 : i32
    %dma_start3A_30 = tpu.memref_slice %arg6[%dma_start3A_27, %dma_start3A_28, %dma_start3A_29] : memref<2x640x32xf32, #tpu.memory_space<vmem>> -> memref<1x128x32xf32, #tpu.memory_space<vmem>>
    %dma_start3A_31 = tpu.memref_squeeze %dma_start3A_30 : memref<1x128x32xf32, #tpu.memory_space<vmem>> -> memref<128x32xf32, #tpu.memory_space<vmem>>
    %dma_start3A_32 = arith.constant 256 : i32
    %dma_start3A_33 = tpu.memref_slice %arg5[%dma_start3A_26, %dma_start3A_32] : memref<4x5120xi32, #tpu.memory_space<vmem>> -> memref<1x128xi32, #tpu.memory_space<vmem>>
    %dma_start3A_34 = tpu.memref_squeeze %dma_start3A_33 : memref<1x128xi32, #tpu.memory_space<vmem>> -> memref<128xi32, #tpu.memory_space<vmem>>
    %dma_start3A_35 = arith.constant 0 : i32
    %dma_start3A_36 = arith.constant 0 : i32
    %dma_start3A_37 = tpu.memref_slice %arg3[%dma_start3A_35, %dma_start3A_36] : memref<100001x32xf32, #tpu.memory_space<hbm>> -> memref<100001x32xf32, #tpu.memory_space<hbm>>
    tpu.enqueue_indirect_dma source(%dma_start3A_37 : memref<100001x32xf32, #tpu.memory_space<hbm>>) target(%dma_start3A_31 : memref<128x32xf32, #tpu.memory_space<vmem>>) offsets(%dma_start3A_34 : memref<128xi32, #tpu.memory_space<vmem>>) semaphore(%arg8 : memref<!tpu.dma_semaphore, #tpu.memory_space<semaphore_mem>>)
    %dma_start3A_38 = arith.constant 0 : i32
    %dma_start3A_39 = arith.constant 0 : i32
    %dma_start3A_40 = arith.constant 384 : i32
    %dma_start3A_41 = arith.constant 0 : i32
    %dma_start3A_42 = tpu.memref_slice %arg6[%dma_start3A_39, %dma_start3A_40, %dma_start3A_41] : memref<2x640x32xf32, #tpu.memory_space<vmem>> -> memref<1x128x32xf32, #tpu.memory_space<vmem>>
    %dma_start3A_43 = tpu.memref_squeeze %dma_start3A_42 : memref<1x128x32xf32, #tpu.memory_space<vmem>> -> memref<128x32xf32, #tpu.memory_space<vmem>>
    %dma_start3A_44 = arith.constant 384 : i32
    %dma_start3A_45 = tpu.memref_slice %arg5[%dma_start3A_38, %dma_start3A_44] : memref<4x5120xi32, #tpu.memory_space<vmem>> -> memref<1x128xi32, #tpu.memory_space<vmem>>
    %dma_start3A_46 = tpu.memref_squeeze %dma_start3A_45 : memref<1x128xi32, #tpu.memory_space<vmem>> -> memref<128xi32, #tpu.memory_space<vmem>>
    %dma_start3A_47 = arith.constant 0 : i32
    %dma_start3A_48 = arith.constant 0 : i32
    %dma_start3A_49 = tpu.memref_slice %arg3[%dma_start3A_47, %dma_start3A_48] : memref<100001x32xf32, #tpu.memory_space<hbm>> -> memref<100001x32xf32, #tpu.memory_space<hbm>>
    tpu.enqueue_indirect_dma source(%dma_start3A_49 : memref<100001x32xf32, #tpu.memory_space<hbm>>) target(%dma_start3A_43 : memref<128x32xf32, #tpu.memory_space<vmem>>) offsets(%dma_start3A_46 : memref<128xi32, #tpu.memory_space<vmem>>) semaphore(%arg8 : memref<!tpu.dma_semaphore, #tpu.memory_space<semaphore_mem>>)
    %dma_start3A_50 = arith.constant 0 : i32
    %dma_start3A_51 = arith.constant 0 : i32
    %dma_start3A_52 = arith.constant 512 : i32
    %dma_start3A_53 = arith.constant 0 : i32
    %dma_start3A_54 = tpu.memref_slice %arg6[%dma_start3A_51, %dma_start3A_52, %dma_start3A_53] : memref<2x640x32xf32, #tpu.memory_space<vmem>> -> memref<1x128x32xf32, #tpu.memory_space<vmem>>
    %dma_start3A_55 = tpu.memref_squeeze %dma_start3A_54 : memref<1x128x32xf32, #tpu.memory_space<vmem>> -> memref<128x32xf32, #tpu.memory_space<vmem>>
    %dma_start3A_56 = arith.constant 512 : i32
    %dma_start3A_57 = tpu.memref_slice %arg5[%dma_start3A_50, %dma_start3A_56] : memref<4x5120xi32, #tpu.memory_space<vmem>> -> memref<1x128xi32, #tpu.memory_space<vmem>>
    %dma_start3A_58 = tpu.memref_squeeze %dma_start3A_57 : memref<1x128xi32, #tpu.memory_space<vmem>> -> memref<128xi32, #tpu.memory_space<vmem>>
    %dma_start3A_59 = arith.constant 0 : i32
    %dma_start3A_60 = arith.constant 0 : i32
    %dma_start3A_61 = tpu.memref_slice %arg3[%dma_start3A_59, %dma_start3A_60] : memref<100001x32xf32, #tpu.memory_space<hbm>> -> memref<100001x32xf32, #tpu.memory_space<hbm>>
    tpu.enqueue_indirect_dma source(%dma_start3A_61 : memref<100001x32xf32, #tpu.memory_space<hbm>>) target(%dma_start3A_55 : memref<128x32xf32, #tpu.memory_space<vmem>>) offsets(%dma_start3A_58 : memref<128xi32, #tpu.memory_space<vmem>>) semaphore(%arg8 : memref<!tpu.dma_semaphore, #tpu.memory_space<semaphore_mem>>)
    %scan3A = arith.constant 0 : i32
    %scan3A_62 = arith.constant 0 : i32
    %scan3A_63 = arith.constant 32 : i32
    %scan3A_64 = arith.addi %scan3A_62, %scan3A_63 : i32
    %scan3A_65 = arith.constant 1 : i32
    %scan3A_66 = scf.for %scan3A_68 = %scan3A_62 to %scan3A_64 step %scan3A_65 iter_args(%scan3A_69 = %scan3A) -> (i32)  : i32 {
      %and3A = arith.constant 1 : i32
      %and3A_70 = arith.andi %scan3A_68, %and3A : i32
      %dma_wait3A = arith.constant 0 : i32
      %dma_wait3A_71 = arith.constant 0 : i32
      %dma_wait3A_72 = tpu.memref_slice %arg6[%and3A_70, %dma_wait3A, %dma_wait3A_71] : memref<2x640x32xf32, #tpu.memory_space<vmem>> -> memref<1x640x32xf32, #tpu.memory_space<vmem>>
      %dma_wait3A_73 = tpu.memref_squeeze %dma_wait3A_72 : memref<1x640x32xf32, #tpu.memory_space<vmem>> -> memref<640x32xf32, #tpu.memory_space<vmem>>
      %dma_wait3A_74 = arith.constant 0 : i32
      %dma_wait3A_75 = arith.constant 0 : i32
      %dma_wait3A_76 = tpu.memref_slice %arg3[%dma_wait3A_74, %dma_wait3A_75] : memref<100001x32xf32, #tpu.memory_space<hbm>> -> memref<640x32xf32, #tpu.memory_space<hbm>>
      %dma_wait3A_77 = arith.constant 0 : i32
      %dma_wait3A_78 = arith.constant 0 : i32
      %dma_wait3A_79 = tpu.memref_slice %arg6[%and3A_70, %dma_wait3A_77, %dma_wait3A_78] : memref<2x640x32xf32, #tpu.memory_space<vmem>> -> memref<1x640x32xf32, #tpu.memory_space<vmem>>
      %dma_wait3A_80 = tpu.memref_squeeze %dma_wait3A_79 : memref<1x640x32xf32, #tpu.memory_space<vmem>> -> memref<640x32xf32, #tpu.memory_space<vmem>>
      %dma_wait3A_81 = arith.constant 0 : i32
      %dma_wait3A_82 = arith.constant 0 : i32
      %dma_wait3A_83 = tpu.memref_slice %arg3[%dma_wait3A_81, %dma_wait3A_82] : memref<100001x32xf32, #tpu.memory_space<hbm>> -> memref<640x32xf32, #tpu.memory_space<hbm>>
      tpu.wait_dma2 semaphore(%arg8 : memref<!tpu.dma_semaphore, #tpu.memory_space<semaphore_mem>>) src(%dma_wait3A_83 : memref<640x32xf32, #tpu.memory_space<hbm>>) dst(%dma_wait3A_80 : memref<640x32xf32, #tpu.memory_space<vmem>>)
      %add3A_84 = arith.constant 1 : i32
      %add3A_85 = arith.addi %scan3A_68, %add3A_84 : i32
      %lt3A = arith.constant 32 : i32
      %lt3A_86 = arith.cmpi slt, %add3A_85, %lt3A : i32
      %convert_element_type3A = arith.extui %lt3A_86 : i1 to i32
      %cond3A = arith.constant 0 : i32
      %cond3A_87 = arith.cmpi ne, %convert_element_type3A, %cond3A : i32
      scf.if %cond3A_87 {
        %add3A_97 = arith.constant 1 : i32
        %add3A_98 = arith.addi %scan3A_68, %add3A_97 : i32
        %sub3A = arith.constant 1 : i32
        %sub3A_99 = arith.subi %sub3A, %and3A_70 : i32
        %shift_right_arithmetic3A = arith.constant 3 : i32
        %shift_right_arithmetic3A_100 = arith.shrsi %add3A_98, %shift_right_arithmetic3A : i32
        %and3A_101 = arith.constant 7 : i32
        %and3A_102 = arith.andi %add3A_98, %and3A_101 : i32
        %mul3A_103 = arith.constant 5 : i32
        %mul3A_104 = arith.muli %and3A_102, %mul3A_103 : i32
        %add3A_105 = arith.constant 0 : i32
        %add3A_106 = arith.addi %mul3A_104, %add3A_105 : i32
        %mul3A_107 = arith.constant 128 : i32
        %mul3A_108 = arith.muli %add3A_106, %mul3A_107 : i32
        %shift_right_arithmetic3A_109 = arith.constant 3 : i32
        %shift_right_arithmetic3A_110 = arith.shrsi %add3A_98, %shift_right_arithmetic3A_109 : i32
        %and3A_111 = arith.constant 7 : i32
        %and3A_112 = arith.andi %add3A_98, %and3A_111 : i32
        %mul3A_113 = arith.constant 5 : i32
        %mul3A_114 = arith.muli %and3A_112, %mul3A_113 : i32
        %add3A_115 = arith.constant 1 : i32
        %add3A_116 = arith.addi %mul3A_114, %add3A_115 : i32
        %mul3A_117 = arith.constant 128 : i32
        %mul3A_118 = arith.muli %add3A_116, %mul3A_117 : i32
        %shift_right_arithmetic3A_119 = arith.constant 3 : i32
        %shift_right_arithmetic3A_120 = arith.shrsi %add3A_98, %shift_right_arithmetic3A_119 : i32
        %and3A_121 = arith.constant 7 : i32
        %and3A_122 = arith.andi %add3A_98, %and3A_121 : i32
        %mul3A_123 = arith.constant 5 : i32
        %mul3A_124 = arith.muli %and3A_122, %mul3A_123 : i32
        %add3A_125 = arith.constant 2 : i32
        %add3A_126 = arith.addi %mul3A_124, %add3A_125 : i32
        %mul3A_127 = arith.constant 128 : i32
        %mul3A_128 = arith.muli %add3A_126, %mul3A_127 : i32
        %shift_right_arithmetic3A_129 = arith.constant 3 : i32
        %shift_right_arithmetic3A_130 = arith.shrsi %add3A_98, %shift_right_arithmetic3A_129 : i32
        %and3A_131 = arith.constant 7 : i32
        %and3A_132 = arith.andi %add3A_98, %and3A_131 : i32
        %mul3A_133 = arith.constant 5 : i32
        %mul3A_134 = arith.muli %and3A_132, %mul3A_133 : i32
        %add3A_135 = arith.constant 3 : i32
        %add3A_136 = arith.addi %mul3A_134, %add3A_135 : i32
        %mul3A_137 = arith.constant 128 : i32
        %mul3A_138 = arith.muli %add3A_136, %mul3A_137 : i32
        %shift_right_arithmetic3A_139 = arith.constant 3 : i32
        %shift_right_arithmetic3A_140 = arith.shrsi %add3A_98, %shift_right_arithmetic3A_139 : i32
        %and3A_141 = arith.constant 7 : i32
        %and3A_142 = arith.andi %add3A_98, %and3A_141 : i32
        %mul3A_143 = arith.constant 5 : i32
        %mul3A_144 = arith.muli %and3A_142, %mul3A_143 : i32
        %add3A_145 = arith.constant 4 : i32
        %add3A_146 = arith.addi %mul3A_144, %add3A_145 : i32
        %mul3A_147 = arith.constant 128 : i32
        %mul3A_148 = arith.muli %add3A_146, %mul3A_147 : i32
        %dma_start3A_149 = arith.constant 0 : i32
        %dma_start3A_150 = arith.constant 0 : i32
        %dma_start3A_151 = tpu.memref_slice %arg6[%sub3A_99, %dma_start3A_149, %dma_start3A_150] : memref<2x640x32xf32, #tpu.memory_space<vmem>> -> memref<1x128x32xf32, #tpu.memory_space<vmem>>
        %dma_start3A_152 = tpu.memref_squeeze %dma_start3A_151 : memref<1x128x32xf32, #tpu.memory_space<vmem>> -> memref<128x32xf32, #tpu.memory_space<vmem>>
        %dma_start3A_153 = tpu.memref_slice %arg5[%shift_right_arithmetic3A_100, %mul3A_108] : memref<4x5120xi32, #tpu.memory_space<vmem>> -> memref<1x128xi32, #tpu.memory_space<vmem>>
        %dma_start3A_154 = tpu.memref_squeeze %dma_start3A_153 : memref<1x128xi32, #tpu.memory_space<vmem>> -> memref<128xi32, #tpu.memory_space<vmem>>
        %dma_start3A_155 = arith.constant 0 : i32
        %dma_start3A_156 = arith.constant 0 : i32
        %dma_start3A_157 = tpu.memref_slice %arg3[%dma_start3A_155, %dma_start3A_156] : memref<100001x32xf32, #tpu.memory_space<hbm>> -> memref<100001x32xf32, #tpu.memory_space<hbm>>
        tpu.enqueue_indirect_dma source(%dma_start3A_157 : memref<100001x32xf32, #tpu.memory_space<hbm>>) target(%dma_start3A_152 : memref<128x32xf32, #tpu.memory_space<vmem>>) offsets(%dma_start3A_154 : memref<128xi32, #tpu.memory_space<vmem>>) semaphore(%arg8 : memref<!tpu.dma_semaphore, #tpu.memory_space<semaphore_mem>>)
        %dma_start3A_158 = arith.constant 128 : i32
        %dma_start3A_159 = arith.constant 0 : i32
        %dma_start3A_160 = tpu.memref_slice %arg6[%sub3A_99, %dma_start3A_158, %dma_start3A_159] : memref<2x640x32xf32, #tpu.memory_space<vmem>> -> memref<1x128x32xf32, #tpu.memory_space<vmem>>
        %dma_start3A_161 = tpu.memref_squeeze %dma_start3A_160 : memref<1x128x32xf32, #tpu.memory_space<vmem>> -> memref<128x32xf32, #tpu.memory_space<vmem>>
        %dma_start3A_162 = tpu.memref_slice %arg5[%shift_right_arithmetic3A_110, %mul3A_118] : memref<4x5120xi32, #tpu.memory_space<vmem>> -> memref<1x128xi32, #tpu.memory_space<vmem>>
        %dma_start3A_163 = tpu.memref_squeeze %dma_start3A_162 : memref<1x128xi32, #tpu.memory_space<vmem>> -> memref<128xi32, #tpu.memory_space<vmem>>
        %dma_start3A_164 = arith.constant 0 : i32
        %dma_start3A_165 = arith.constant 0 : i32
        %dma_start3A_166 = tpu.memref_slice %arg3[%dma_start3A_164, %dma_start3A_165] : memref<100001x32xf32, #tpu.memory_space<hbm>> -> memref<100001x32xf32, #tpu.memory_space<hbm>>
        tpu.enqueue_indirect_dma source(%dma_start3A_166 : memref<100001x32xf32, #tpu.memory_space<hbm>>) target(%dma_start3A_161 : memref<128x32xf32, #tpu.memory_space<vmem>>) offsets(%dma_start3A_163 : memref<128xi32, #tpu.memory_space<vmem>>) semaphore(%arg8 : memref<!tpu.dma_semaphore, #tpu.memory_space<semaphore_mem>>)
        %dma_start3A_167 = arith.constant 256 : i32
        %dma_start3A_168 = arith.constant 0 : i32
        %dma_start3A_169 = tpu.memref_slice %arg6[%sub3A_99, %dma_start3A_167, %dma_start3A_168] : memref<2x640x32xf32, #tpu.memory_space<vmem>> -> memref<1x128x32xf32, #tpu.memory_space<vmem>>
        %dma_start3A_170 = tpu.memref_squeeze %dma_start3A_169 : memref<1x128x32xf32, #tpu.memory_space<vmem>> -> memref<128x32xf32, #tpu.memory_space<vmem>>
        %dma_start3A_171 = tpu.memref_slice %arg5[%shift_right_arithmetic3A_120, %mul3A_128] : memref<4x5120xi32, #tpu.memory_space<vmem>> -> memref<1x128xi32, #tpu.memory_space<vmem>>
        %dma_start3A_172 = tpu.memref_squeeze %dma_start3A_171 : memref<1x128xi32, #tpu.memory_space<vmem>> -> memref<128xi32, #tpu.memory_space<vmem>>
        %dma_start3A_173 = arith.constant 0 : i32
        %dma_start3A_174 = arith.constant 0 : i32
        %dma_start3A_175 = tpu.memref_slice %arg3[%dma_start3A_173, %dma_start3A_174] : memref<100001x32xf32, #tpu.memory_space<hbm>> -> memref<100001x32xf32, #tpu.memory_space<hbm>>
        tpu.enqueue_indirect_dma source(%dma_start3A_175 : memref<100001x32xf32, #tpu.memory_space<hbm>>) target(%dma_start3A_170 : memref<128x32xf32, #tpu.memory_space<vmem>>) offsets(%dma_start3A_172 : memref<128xi32, #tpu.memory_space<vmem>>) semaphore(%arg8 : memref<!tpu.dma_semaphore, #tpu.memory_space<semaphore_mem>>)
        %dma_start3A_176 = arith.constant 384 : i32
        %dma_start3A_177 = arith.constant 0 : i32
        %dma_start3A_178 = tpu.memref_slice %arg6[%sub3A_99, %dma_start3A_176, %dma_start3A_177] : memref<2x640x32xf32, #tpu.memory_space<vmem>> -> memref<1x128x32xf32, #tpu.memory_space<vmem>>
        %dma_start3A_179 = tpu.memref_squeeze %dma_start3A_178 : memref<1x128x32xf32, #tpu.memory_space<vmem>> -> memref<128x32xf32, #tpu.memory_space<vmem>>
        %dma_start3A_180 = tpu.memref_slice %arg5[%shift_right_arithmetic3A_130, %mul3A_138] : memref<4x5120xi32, #tpu.memory_space<vmem>> -> memref<1x128xi32, #tpu.memory_space<vmem>>
        %dma_start3A_181 = tpu.memref_squeeze %dma_start3A_180 : memref<1x128xi32, #tpu.memory_space<vmem>> -> memref<128xi32, #tpu.memory_space<vmem>>
        %dma_start3A_182 = arith.constant 0 : i32
        %dma_start3A_183 = arith.constant 0 : i32
        %dma_start3A_184 = tpu.memref_slice %arg3[%dma_start3A_182, %dma_start3A_183] : memref<100001x32xf32, #tpu.memory_space<hbm>> -> memref<100001x32xf32, #tpu.memory_space<hbm>>
        tpu.enqueue_indirect_dma source(%dma_start3A_184 : memref<100001x32xf32, #tpu.memory_space<hbm>>) target(%dma_start3A_179 : memref<128x32xf32, #tpu.memory_space<vmem>>) offsets(%dma_start3A_181 : memref<128xi32, #tpu.memory_space<vmem>>) semaphore(%arg8 : memref<!tpu.dma_semaphore, #tpu.memory_space<semaphore_mem>>)
        %dma_start3A_185 = arith.constant 512 : i32
        %dma_start3A_186 = arith.constant 0 : i32
        %dma_start3A_187 = tpu.memref_slice %arg6[%sub3A_99, %dma_start3A_185, %dma_start3A_186] : memref<2x640x32xf32, #tpu.memory_space<vmem>> -> memref<1x128x32xf32, #tpu.memory_space<vmem>>
        %dma_start3A_188 = tpu.memref_squeeze %dma_start3A_187 : memref<1x128x32xf32, #tpu.memory_space<vmem>> -> memref<128x32xf32, #tpu.memory_space<vmem>>
        %dma_start3A_189 = tpu.memref_slice %arg5[%shift_right_arithmetic3A_140, %mul3A_148] : memref<4x5120xi32, #tpu.memory_space<vmem>> -> memref<1x128xi32, #tpu.memory_space<vmem>>
        %dma_start3A_190 = tpu.memref_squeeze %dma_start3A_189 : memref<1x128xi32, #tpu.memory_space<vmem>> -> memref<128xi32, #tpu.memory_space<vmem>>
        %dma_start3A_191 = arith.constant 0 : i32
        %dma_start3A_192 = arith.constant 0 : i32
        %dma_start3A_193 = tpu.memref_slice %arg3[%dma_start3A_191, %dma_start3A_192] : memref<100001x32xf32, #tpu.memory_space<hbm>> -> memref<100001x32xf32, #tpu.memory_space<hbm>>
        tpu.enqueue_indirect_dma source(%dma_start3A_193 : memref<100001x32xf32, #tpu.memory_space<hbm>>) target(%dma_start3A_188 : memref<128x32xf32, #tpu.memory_space<vmem>>) offsets(%dma_start3A_190 : memref<128xi32, #tpu.memory_space<vmem>>) semaphore(%arg8 : memref<!tpu.dma_semaphore, #tpu.memory_space<semaphore_mem>>)
      } else {
      }
      %parallel_loop3A = arith.constant 0 : i32
      %parallel_loop3A_88 = arith.constant 32 : i32
      %parallel_loop3A_89 = arith.constant 1 : i32
      scf.for %parallel_loop3A_97 = %parallel_loop3A to %parallel_loop3A_88 step %parallel_loop3A_89  : i32 {
        %parallel_loop3A_98 = arith.constant 20 : i32
        %parallel_loop3A_99 = arith.muli %parallel_loop3A_97, %parallel_loop3A_98 : i32
        %parallel_loop3A_100 = arith.constant 0 : i32
        %parallel_loop3A_101 = arith.addi %parallel_loop3A_99, %parallel_loop3A_100 : i32
        %parallel_loop3A_102 = arith.index_cast %and3A_70 : i32 to index
        %parallel_loop3A_103 = arith.index_cast %parallel_loop3A_101 : i32 to index
        %parallel_loop3A_104 = arith.constant 0 : index
        %parallel_loop3A_105 = tpu.vector_load %arg6[%parallel_loop3A_102, %parallel_loop3A_103, %parallel_loop3A_104] {strides = array<i32>} : memref<2x640x32xf32, #tpu.memory_space<vmem>>, vector<16xf32>,
        %parallel_loop3A_106 = arith.constant 1 : i32
        %parallel_loop3A_107 = arith.addi %parallel_loop3A_99, %parallel_loop3A_106 : i32
        %parallel_loop3A_108 = arith.index_cast %and3A_70 : i32 to index
        %parallel_loop3A_109 = arith.index_cast %parallel_loop3A_107 : i32 to index
        %parallel_loop3A_110 = arith.constant 0 : index
        %parallel_loop3A_111 = tpu.vector_load %arg6[%parallel_loop3A_108, %parallel_loop3A_109, %parallel_loop3A_110] {strides = array<i32>} : memref<2x640x32xf32, #tpu.memory_space<vmem>>, vector<16xf32>,
        %parallel_loop3A_112 = arith.constant 2 : i32
        %parallel_loop3A_113 = arith.addi %parallel_loop3A_99, %parallel_loop3A_112 : i32
        %parallel_loop3A_114 = arith.index_cast %and3A_70 : i32 to index
        %parallel_loop3A_115 = arith.index_cast %parallel_loop3A_113 : i32 to index
        %parallel_loop3A_116 = arith.constant 0 : index
        %parallel_loop3A_117 = tpu.vector_load %arg6[%parallel_loop3A_114, %parallel_loop3A_115, %parallel_loop3A_116] {strides = array<i32>} : memref<2x640x32xf32, #tpu.memory_space<vmem>>, vector<16xf32>,
        %parallel_loop3A_118 = arith.constant 3 : i32
        %parallel_loop3A_119 = arith.addi %parallel_loop3A_99, %parallel_loop3A_118 : i32
        %parallel_loop3A_120 = arith.index_cast %and3A_70 : i32 to index
        %parallel_loop3A_121 = arith.index_cast %parallel_loop3A_119 : i32 to index
        %parallel_loop3A_122 = arith.constant 0 : index
        %parallel_loop3A_123 = tpu.vector_load %arg6[%parallel_loop3A_120, %parallel_loop3A_121, %parallel_loop3A_122] {strides = array<i32>} : memref<2x640x32xf32, #tpu.memory_space<vmem>>, vector<16xf32>,
        %parallel_loop3A_124 = arith.constant 4 : i32
        %parallel_loop3A_125 = arith.addi %parallel_loop3A_99, %parallel_loop3A_124 : i32
        %parallel_loop3A_126 = arith.index_cast %and3A_70 : i32 to index
        %parallel_loop3A_127 = arith.index_cast %parallel_loop3A_125 : i32 to index
        %parallel_loop3A_128 = arith.constant 0 : index
        %parallel_loop3A_129 = tpu.vector_load %arg6[%parallel_loop3A_126, %parallel_loop3A_127, %parallel_loop3A_128] {strides = array<i32>} : memref<2x640x32xf32, #tpu.memory_space<vmem>>, vector<16xf32>,
        %parallel_loop3A_130 = arith.constant 5 : i32
        %parallel_loop3A_131 = arith.addi %parallel_loop3A_99, %parallel_loop3A_130 : i32
        %parallel_loop3A_132 = arith.index_cast %and3A_70 : i32 to index
        %parallel_loop3A_133 = arith.index_cast %parallel_loop3A_131 : i32 to index
        %parallel_loop3A_134 = arith.constant 0 : index
        %parallel_loop3A_135 = tpu.vector_load %arg6[%parallel_loop3A_132, %parallel_loop3A_133, %parallel_loop3A_134] {strides = array<i32>} : memref<2x640x32xf32, #tpu.memory_space<vmem>>, vector<16xf32>,
        %parallel_loop3A_136 = arith.constant 6 : i32
        %parallel_loop3A_137 = arith.addi %parallel_loop3A_99, %parallel_loop3A_136 : i32
        %parallel_loop3A_138 = arith.index_cast %and3A_70 : i32 to index
        %parallel_loop3A_139 = arith.index_cast %parallel_loop3A_137 : i32 to index
        %parallel_loop3A_140 = arith.constant 0 : index
        %parallel_loop3A_141 = tpu.vector_load %arg6[%parallel_loop3A_138, %parallel_loop3A_139, %parallel_loop3A_140] {strides = array<i32>} : memref<2x640x32xf32, #tpu.memory_space<vmem>>, vector<16xf32>,
        %parallel_loop3A_142 = arith.constant 7 : i32
        %parallel_loop3A_143 = arith.addi %parallel_loop3A_99, %parallel_loop3A_142 : i32
        %parallel_loop3A_144 = arith.index_cast %and3A_70 : i32 to index
        %parallel_loop3A_145 = arith.index_cast %parallel_loop3A_143 : i32 to index
        %parallel_loop3A_146 = arith.constant 0 : index
        %parallel_loop3A_147 = tpu.vector_load %arg6[%parallel_loop3A_144, %parallel_loop3A_145, %parallel_loop3A_146] {strides = array<i32>} : memref<2x640x32xf32, #tpu.memory_space<vmem>>, vector<16xf32>,
        %parallel_loop3A_148 = arith.constant 8 : i32
        %parallel_loop3A_149 = arith.addi %parallel_loop3A_99, %parallel_loop3A_148 : i32
        %parallel_loop3A_150 = arith.index_cast %and3A_70 : i32 to index
        %parallel_loop3A_151 = arith.index_cast %parallel_loop3A_149 : i32 to index
        %parallel_loop3A_152 = arith.constant 0 : index
        %parallel_loop3A_153 = tpu.vector_load %arg6[%parallel_loop3A_150, %parallel_loop3A_151, %parallel_loop3A_152] {strides = array<i32>} : memref<2x640x32xf32, #tpu.memory_space<vmem>>, vector<16xf32>,
        %parallel_loop3A_154 = arith.constant 9 : i32
        %parallel_loop3A_155 = arith.addi %parallel_loop3A_99, %parallel_loop3A_154 : i32
        %parallel_loop3A_156 = arith.index_cast %and3A_70 : i32 to index
        %parallel_loop3A_157 = arith.index_cast %parallel_loop3A_155 : i32 to index
        %parallel_loop3A_158 = arith.constant 0 : index
        %parallel_loop3A_159 = tpu.vector_load %arg6[%parallel_loop3A_156, %parallel_loop3A_157, %parallel_loop3A_158] {strides = array<i32>} : memref<2x640x32xf32, #tpu.memory_space<vmem>>, vector<16xf32>,
        %parallel_loop3A_160 = arith.constant 10 : i32
        %parallel_loop3A_161 = arith.addi %parallel_loop3A_99, %parallel_loop3A_160 : i32
        %parallel_loop3A_162 = arith.index_cast %and3A_70 : i32 to index
        %parallel_loop3A_163 = arith.index_cast %parallel_loop3A_161 : i32 to index
        %parallel_loop3A_164 = arith.constant 0 : index
        %parallel_loop3A_165 = tpu.vector_load %arg6[%parallel_loop3A_162, %parallel_loop3A_163, %parallel_loop3A_164] {strides = array<i32>} : memref<2x640x32xf32, #tpu.memory_space<vmem>>, vector<16xf32>,
        %parallel_loop3A_166 = arith.constant 11 : i32
        %parallel_loop3A_167 = arith.addi %parallel_loop3A_99, %parallel_loop3A_166 : i32
        %parallel_loop3A_168 = arith.index_cast %and3A_70 : i32 to index
        %parallel_loop3A_169 = arith.index_cast %parallel_loop3A_167 : i32 to index
        %parallel_loop3A_170 = arith.constant 0 : index
        %parallel_loop3A_171 = tpu.vector_load %arg6[%parallel_loop3A_168, %parallel_loop3A_169, %parallel_loop3A_170] {strides = array<i32>} : memref<2x640x32xf32, #tpu.memory_space<vmem>>, vector<16xf32>,
        %parallel_loop3A_172 = arith.constant 12 : i32
        %parallel_loop3A_173 = arith.addi %parallel_loop3A_99, %parallel_loop3A_172 : i32
        %parallel_loop3A_174 = arith.index_cast %and3A_70 : i32 to index
        %parallel_loop3A_175 = arith.index_cast %parallel_loop3A_173 : i32 to index
        %parallel_loop3A_176 = arith.constant 0 : index
        %parallel_loop3A_177 = tpu.vector_load %arg6[%parallel_loop3A_174, %parallel_loop3A_175, %parallel_loop3A_176] {strides = array<i32>} : memref<2x640x32xf32, #tpu.memory_space<vmem>>, vector<16xf32>,
        %parallel_loop3A_178 = arith.constant 13 : i32
        %parallel_loop3A_179 = arith.addi %parallel_loop3A_99, %parallel_loop3A_178 : i32
        %parallel_loop3A_180 = arith.index_cast %and3A_70 : i32 to index
        %parallel_loop3A_181 = arith.index_cast %parallel_loop3A_179 : i32 to index
        %parallel_loop3A_182 = arith.constant 0 : index
        %parallel_loop3A_183 = tpu.vector_load %arg6[%parallel_loop3A_180, %parallel_loop3A_181, %parallel_loop3A_182] {strides = array<i32>} : memref<2x640x32xf32, #tpu.memory_space<vmem>>, vector<16xf32>,
        %parallel_loop3A_184 = arith.constant 14 : i32
        %parallel_loop3A_185 = arith.addi %parallel_loop3A_99, %parallel_loop3A_184 : i32
        %parallel_loop3A_186 = arith.index_cast %and3A_70 : i32 to index
        %parallel_loop3A_187 = arith.index_cast %parallel_loop3A_185 : i32 to index
        %parallel_loop3A_188 = arith.constant 0 : index
        %parallel_loop3A_189 = tpu.vector_load %arg6[%parallel_loop3A_186, %parallel_loop3A_187, %parallel_loop3A_188] {strides = array<i32>} : memref<2x640x32xf32, #tpu.memory_space<vmem>>, vector<16xf32>,
        %parallel_loop3A_190 = arith.constant 15 : i32
        %parallel_loop3A_191 = arith.addi %parallel_loop3A_99, %parallel_loop3A_190 : i32
        %parallel_loop3A_192 = arith.index_cast %and3A_70 : i32 to index
        %parallel_loop3A_193 = arith.index_cast %parallel_loop3A_191 : i32 to index
        %parallel_loop3A_194 = arith.constant 0 : index
        %parallel_loop3A_195 = tpu.vector_load %arg6[%parallel_loop3A_192, %parallel_loop3A_193, %parallel_loop3A_194] {strides = array<i32>} : memref<2x640x32xf32, #tpu.memory_space<vmem>>, vector<16xf32>,
        %parallel_loop3A_196 = arith.constant 16 : i32
        %parallel_loop3A_197 = arith.addi %parallel_loop3A_99, %parallel_loop3A_196 : i32
        %parallel_loop3A_198 = arith.index_cast %and3A_70 : i32 to index
        %parallel_loop3A_199 = arith.index_cast %parallel_loop3A_197 : i32 to index
        %parallel_loop3A_200 = arith.constant 0 : index
        %parallel_loop3A_201 = tpu.vector_load %arg6[%parallel_loop3A_198, %parallel_loop3A_199, %parallel_loop3A_200] {strides = array<i32>} : memref<2x640x32xf32, #tpu.memory_space<vmem>>, vector<16xf32>,
        %parallel_loop3A_202 = arith.constant 17 : i32
        %parallel_loop3A_203 = arith.addi %parallel_loop3A_99, %parallel_loop3A_202 : i32
        %parallel_loop3A_204 = arith.index_cast %and3A_70 : i32 to index
        %parallel_loop3A_205 = arith.index_cast %parallel_loop3A_203 : i32 to index
        %parallel_loop3A_206 = arith.constant 0 : index
        %parallel_loop3A_207 = tpu.vector_load %arg6[%parallel_loop3A_204, %parallel_loop3A_205, %parallel_loop3A_206] {strides = array<i32>} : memref<2x640x32xf32, #tpu.memory_space<vmem>>, vector<16xf32>,
        %parallel_loop3A_208 = arith.constant 18 : i32
        %parallel_loop3A_209 = arith.addi %parallel_loop3A_99, %parallel_loop3A_208 : i32
        %parallel_loop3A_210 = arith.index_cast %and3A_70 : i32 to index
        %parallel_loop3A_211 = arith.index_cast %parallel_loop3A_209 : i32 to index
        %parallel_loop3A_212 = arith.constant 0 : index
        %parallel_loop3A_213 = tpu.vector_load %arg6[%parallel_loop3A_210, %parallel_loop3A_211, %parallel_loop3A_212] {strides = array<i32>} : memref<2x640x32xf32, #tpu.memory_space<vmem>>, vector<16xf32>,
        %parallel_loop3A_214 = arith.constant 19 : i32
        %parallel_loop3A_215 = arith.addi %parallel_loop3A_99, %parallel_loop3A_214 : i32
        %parallel_loop3A_216 = arith.index_cast %and3A_70 : i32 to index
        %parallel_loop3A_217 = arith.index_cast %parallel_loop3A_215 : i32 to index
        %parallel_loop3A_218 = arith.constant 0 : index
        %parallel_loop3A_219 = tpu.vector_load %arg6[%parallel_loop3A_216, %parallel_loop3A_217, %parallel_loop3A_218] {strides = array<i32>} : memref<2x640x32xf32, #tpu.memory_space<vmem>>, vector<16xf32>,
        %parallel_loop3A_220 = arith.addf %parallel_loop3A_105, %parallel_loop3A_111 : vector<16xf32>
        %parallel_loop3A_221 = arith.addf %parallel_loop3A_117, %parallel_loop3A_123 : vector<16xf32>
        %parallel_loop3A_222 = arith.addf %parallel_loop3A_129, %parallel_loop3A_135 : vector<16xf32>
        %parallel_loop3A_223 = arith.addf %parallel_loop3A_141, %parallel_loop3A_147 : vector<16xf32>
        %parallel_loop3A_224 = arith.addf %parallel_loop3A_153, %parallel_loop3A_159 : vector<16xf32>
        %parallel_loop3A_225 = arith.addf %parallel_loop3A_165, %parallel_loop3A_171 : vector<16xf32>
        %parallel_loop3A_226 = arith.addf %parallel_loop3A_177, %parallel_loop3A_183 : vector<16xf32>
        %parallel_loop3A_227 = arith.addf %parallel_loop3A_189, %parallel_loop3A_195 : vector<16xf32>
        %parallel_loop3A_228 = arith.addf %parallel_loop3A_201, %parallel_loop3A_207 : vector<16xf32>
        %parallel_loop3A_229 = arith.addf %parallel_loop3A_213, %parallel_loop3A_219 : vector<16xf32>
        %parallel_loop3A_230 = arith.addf %parallel_loop3A_220, %parallel_loop3A_221 : vector<16xf32>
        %parallel_loop3A_231 = arith.addf %parallel_loop3A_222, %parallel_loop3A_223 : vector<16xf32>
        %parallel_loop3A_232 = arith.addf %parallel_loop3A_224, %parallel_loop3A_225 : vector<16xf32>
        %parallel_loop3A_233 = arith.addf %parallel_loop3A_226, %parallel_loop3A_227 : vector<16xf32>
        %parallel_loop3A_234 = arith.addf %parallel_loop3A_228, %parallel_loop3A_229 : vector<16xf32>
        %parallel_loop3A_235 = arith.addf %parallel_loop3A_230, %parallel_loop3A_231 : vector<16xf32>
        %parallel_loop3A_236 = arith.addf %parallel_loop3A_232, %parallel_loop3A_233 : vector<16xf32>
        %parallel_loop3A_237 = arith.addf %parallel_loop3A_235, %parallel_loop3A_236 : vector<16xf32>
        %parallel_loop3A_238 = arith.addf %parallel_loop3A_237, %parallel_loop3A_234 : vector<16xf32>
        %parallel_loop3A_239 = arith.constant 0 : i32
        %parallel_loop3A_240 = arith.addi %parallel_loop3A_99, %parallel_loop3A_239 : i32
        %parallel_loop3A_241 = arith.index_cast %and3A_70 : i32 to index
        %parallel_loop3A_242 = arith.index_cast %parallel_loop3A_240 : i32 to index
        %parallel_loop3A_243 = arith.constant 16 : index
        %parallel_loop3A_244 = tpu.vector_load %arg6[%parallel_loop3A_241, %parallel_loop3A_242, %parallel_loop3A_243] {strides = array<i32>} : memref<2x640x32xf32, #tpu.memory_space<vmem>>, vector<16xf32>,
        %parallel_loop3A_245 = arith.constant 1 : i32
        %parallel_loop3A_246 = arith.addi %parallel_loop3A_99, %parallel_loop3A_245 : i32
        %parallel_loop3A_247 = arith.index_cast %and3A_70 : i32 to index
        %parallel_loop3A_248 = arith.index_cast %parallel_loop3A_246 : i32 to index
        %parallel_loop3A_249 = arith.constant 16 : index
        %parallel_loop3A_250 = tpu.vector_load %arg6[%parallel_loop3A_247, %parallel_loop3A_248, %parallel_loop3A_249] {strides = array<i32>} : memref<2x640x32xf32, #tpu.memory_space<vmem>>, vector<16xf32>,
        %parallel_loop3A_251 = arith.constant 2 : i32
        %parallel_loop3A_252 = arith.addi %parallel_loop3A_99, %parallel_loop3A_251 : i32
        %parallel_loop3A_253 = arith.index_cast %and3A_70 : i32 to index
        %parallel_loop3A_254 = arith.index_cast %parallel_loop3A_252 : i32 to index
        %parallel_loop3A_255 = arith.constant 16 : index
        %parallel_loop3A_256 = tpu.vector_load %arg6[%parallel_loop3A_253, %parallel_loop3A_254, %parallel_loop3A_255] {strides = array<i32>} : memref<2x640x32xf32, #tpu.memory_space<vmem>>, vector<16xf32>,
        %parallel_loop3A_257 = arith.constant 3 : i32
        %parallel_loop3A_258 = arith.addi %parallel_loop3A_99, %parallel_loop3A_257 : i32
        %parallel_loop3A_259 = arith.index_cast %and3A_70 : i32 to index
        %parallel_loop3A_260 = arith.index_cast %parallel_loop3A_258 : i32 to index
        %parallel_loop3A_261 = arith.constant 16 : index
        %parallel_loop3A_262 = tpu.vector_load %arg6[%parallel_loop3A_259, %parallel_loop3A_260, %parallel_loop3A_261] {strides = array<i32>} : memref<2x640x32xf32, #tpu.memory_space<vmem>>, vector<16xf32>,
        %parallel_loop3A_263 = arith.constant 4 : i32
        %parallel_loop3A_264 = arith.addi %parallel_loop3A_99, %parallel_loop3A_263 : i32
        %parallel_loop3A_265 = arith.index_cast %and3A_70 : i32 to index
        %parallel_loop3A_266 = arith.index_cast %parallel_loop3A_264 : i32 to index
        %parallel_loop3A_267 = arith.constant 16 : index
        %parallel_loop3A_268 = tpu.vector_load %arg6[%parallel_loop3A_265, %parallel_loop3A_266, %parallel_loop3A_267] {strides = array<i32>} : memref<2x640x32xf32, #tpu.memory_space<vmem>>, vector<16xf32>,
        %parallel_loop3A_269 = arith.constant 5 : i32
        %parallel_loop3A_270 = arith.addi %parallel_loop3A_99, %parallel_loop3A_269 : i32
        %parallel_loop3A_271 = arith.index_cast %and3A_70 : i32 to index
        %parallel_loop3A_272 = arith.index_cast %parallel_loop3A_270 : i32 to index
        %parallel_loop3A_273 = arith.constant 16 : index
        %parallel_loop3A_274 = tpu.vector_load %arg6[%parallel_loop3A_271, %parallel_loop3A_272, %parallel_loop3A_273] {strides = array<i32>} : memref<2x640x32xf32, #tpu.memory_space<vmem>>, vector<16xf32>,
        %parallel_loop3A_275 = arith.constant 6 : i32
        %parallel_loop3A_276 = arith.addi %parallel_loop3A_99, %parallel_loop3A_275 : i32
        %parallel_loop3A_277 = arith.index_cast %and3A_70 : i32 to index
        %parallel_loop3A_278 = arith.index_cast %parallel_loop3A_276 : i32 to index
        %parallel_loop3A_279 = arith.constant 16 : index
        %parallel_loop3A_280 = tpu.vector_load %arg6[%parallel_loop3A_277, %parallel_loop3A_278, %parallel_loop3A_279] {strides = array<i32>} : memref<2x640x32xf32, #tpu.memory_space<vmem>>, vector<16xf32>,
        %parallel_loop3A_281 = arith.constant 7 : i32
        %parallel_loop3A_282 = arith.addi %parallel_loop3A_99, %parallel_loop3A_281 : i32
        %parallel_loop3A_283 = arith.index_cast %and3A_70 : i32 to index
        %parallel_loop3A_284 = arith.index_cast %parallel_loop3A_282 : i32 to index
        %parallel_loop3A_285 = arith.constant 16 : index
        %parallel_loop3A_286 = tpu.vector_load %arg6[%parallel_loop3A_283, %parallel_loop3A_284, %parallel_loop3A_285] {strides = array<i32>} : memref<2x640x32xf32, #tpu.memory_space<vmem>>, vector<16xf32>,
        %parallel_loop3A_287 = arith.constant 8 : i32
        %parallel_loop3A_288 = arith.addi %parallel_loop3A_99, %parallel_loop3A_287 : i32
        %parallel_loop3A_289 = arith.index_cast %and3A_70 : i32 to index
        %parallel_loop3A_290 = arith.index_cast %parallel_loop3A_288 : i32 to index
        %parallel_loop3A_291 = arith.constant 16 : index
        %parallel_loop3A_292 = tpu.vector_load %arg6[%parallel_loop3A_289, %parallel_loop3A_290, %parallel_loop3A_291] {strides = array<i32>} : memref<2x640x32xf32, #tpu.memory_space<vmem>>, vector<16xf32>,
        %parallel_loop3A_293 = arith.constant 9 : i32
        %parallel_loop3A_294 = arith.addi %parallel_loop3A_99, %parallel_loop3A_293 : i32
        %parallel_loop3A_295 = arith.index_cast %and3A_70 : i32 to index
        %parallel_loop3A_296 = arith.index_cast %parallel_loop3A_294 : i32 to index
        %parallel_loop3A_297 = arith.constant 16 : index
        %parallel_loop3A_298 = tpu.vector_load %arg6[%parallel_loop3A_295, %parallel_loop3A_296, %parallel_loop3A_297] {strides = array<i32>} : memref<2x640x32xf32, #tpu.memory_space<vmem>>, vector<16xf32>,
        %parallel_loop3A_299 = arith.constant 10 : i32
        %parallel_loop3A_300 = arith.addi %parallel_loop3A_99, %parallel_loop3A_299 : i32
        %parallel_loop3A_301 = arith.index_cast %and3A_70 : i32 to index
        %parallel_loop3A_302 = arith.index_cast %parallel_loop3A_300 : i32 to index
        %parallel_loop3A_303 = arith.constant 16 : index
        %parallel_loop3A_304 = tpu.vector_load %arg6[%parallel_loop3A_301, %parallel_loop3A_302, %parallel_loop3A_303] {strides = array<i32>} : memref<2x640x32xf32, #tpu.memory_space<vmem>>, vector<16xf32>,
        %parallel_loop3A_305 = arith.constant 11 : i32
        %parallel_loop3A_306 = arith.addi %parallel_loop3A_99, %parallel_loop3A_305 : i32
        %parallel_loop3A_307 = arith.index_cast %and3A_70 : i32 to index
        %parallel_loop3A_308 = arith.index_cast %parallel_loop3A_306 : i32 to index
        %parallel_loop3A_309 = arith.constant 16 : index
        %parallel_loop3A_310 = tpu.vector_load %arg6[%parallel_loop3A_307, %parallel_loop3A_308, %parallel_loop3A_309] {strides = array<i32>} : memref<2x640x32xf32, #tpu.memory_space<vmem>>, vector<16xf32>,
        %parallel_loop3A_311 = arith.constant 12 : i32
        %parallel_loop3A_312 = arith.addi %parallel_loop3A_99, %parallel_loop3A_311 : i32
        %parallel_loop3A_313 = arith.index_cast %and3A_70 : i32 to index
        %parallel_loop3A_314 = arith.index_cast %parallel_loop3A_312 : i32 to index
        %parallel_loop3A_315 = arith.constant 16 : index
        %parallel_loop3A_316 = tpu.vector_load %arg6[%parallel_loop3A_313, %parallel_loop3A_314, %parallel_loop3A_315] {strides = array<i32>} : memref<2x640x32xf32, #tpu.memory_space<vmem>>, vector<16xf32>,
        %parallel_loop3A_317 = arith.constant 13 : i32
        %parallel_loop3A_318 = arith.addi %parallel_loop3A_99, %parallel_loop3A_317 : i32
        %parallel_loop3A_319 = arith.index_cast %and3A_70 : i32 to index
        %parallel_loop3A_320 = arith.index_cast %parallel_loop3A_318 : i32 to index
        %parallel_loop3A_321 = arith.constant 16 : index
        %parallel_loop3A_322 = tpu.vector_load %arg6[%parallel_loop3A_319, %parallel_loop3A_320, %parallel_loop3A_321] {strides = array<i32>} : memref<2x640x32xf32, #tpu.memory_space<vmem>>, vector<16xf32>,
        %parallel_loop3A_323 = arith.constant 14 : i32
        %parallel_loop3A_324 = arith.addi %parallel_loop3A_99, %parallel_loop3A_323 : i32
        %parallel_loop3A_325 = arith.index_cast %and3A_70 : i32 to index
        %parallel_loop3A_326 = arith.index_cast %parallel_loop3A_324 : i32 to index
        %parallel_loop3A_327 = arith.constant 16 : index
        %parallel_loop3A_328 = tpu.vector_load %arg6[%parallel_loop3A_325, %parallel_loop3A_326, %parallel_loop3A_327] {strides = array<i32>} : memref<2x640x32xf32, #tpu.memory_space<vmem>>, vector<16xf32>,
        %parallel_loop3A_329 = arith.constant 15 : i32
        %parallel_loop3A_330 = arith.addi %parallel_loop3A_99, %parallel_loop3A_329 : i32
        %parallel_loop3A_331 = arith.index_cast %and3A_70 : i32 to index
        %parallel_loop3A_332 = arith.index_cast %parallel_loop3A_330 : i32 to index
        %parallel_loop3A_333 = arith.constant 16 : index
        %parallel_loop3A_334 = tpu.vector_load %arg6[%parallel_loop3A_331, %parallel_loop3A_332, %parallel_loop3A_333] {strides = array<i32>} : memref<2x640x32xf32, #tpu.memory_space<vmem>>, vector<16xf32>,
        %parallel_loop3A_335 = arith.constant 16 : i32
        %parallel_loop3A_336 = arith.addi %parallel_loop3A_99, %parallel_loop3A_335 : i32
        %parallel_loop3A_337 = arith.index_cast %and3A_70 : i32 to index
        %parallel_loop3A_338 = arith.index_cast %parallel_loop3A_336 : i32 to index
        %parallel_loop3A_339 = arith.constant 16 : index
        %parallel_loop3A_340 = tpu.vector_load %arg6[%parallel_loop3A_337, %parallel_loop3A_338, %parallel_loop3A_339] {strides = array<i32>} : memref<2x640x32xf32, #tpu.memory_space<vmem>>, vector<16xf32>,
        %parallel_loop3A_341 = arith.constant 17 : i32
        %parallel_loop3A_342 = arith.addi %parallel_loop3A_99, %parallel_loop3A_341 : i32
        %parallel_loop3A_343 = arith.index_cast %and3A_70 : i32 to index
        %parallel_loop3A_344 = arith.index_cast %parallel_loop3A_342 : i32 to index
        %parallel_loop3A_345 = arith.constant 16 : index
        %parallel_loop3A_346 = tpu.vector_load %arg6[%parallel_loop3A_343, %parallel_loop3A_344, %parallel_loop3A_345] {strides = array<i32>} : memref<2x640x32xf32, #tpu.memory_space<vmem>>, vector<16xf32>,
        %parallel_loop3A_347 = arith.constant 18 : i32
        %parallel_loop3A_348 = arith.addi %parallel_loop3A_99, %parallel_loop3A_347 : i32
        %parallel_loop3A_349 = arith.index_cast %and3A_70 : i32 to index
        %parallel_loop3A_350 = arith.index_cast %parallel_loop3A_348 : i32 to index
        %parallel_loop3A_351 = arith.constant 16 : index
        %parallel_loop3A_352 = tpu.vector_load %arg6[%parallel_loop3A_349, %parallel_loop3A_350, %parallel_loop3A_351] {strides = array<i32>} : memref<2x640x32xf32, #tpu.memory_space<vmem>>, vector<16xf32>,
        %parallel_loop3A_353 = arith.constant 19 : i32
        %parallel_loop3A_354 = arith.addi %parallel_loop3A_99, %parallel_loop3A_353 : i32
        %parallel_loop3A_355 = arith.index_cast %and3A_70 : i32 to index
        %parallel_loop3A_356 = arith.index_cast %parallel_loop3A_354 : i32 to index
        %parallel_loop3A_357 = arith.constant 16 : index
        %parallel_loop3A_358 = tpu.vector_load %arg6[%parallel_loop3A_355, %parallel_loop3A_356, %parallel_loop3A_357] {strides = array<i32>} : memref<2x640x32xf32, #tpu.memory_space<vmem>>, vector<16xf32>,
        %parallel_loop3A_359 = arith.addf %parallel_loop3A_244, %parallel_loop3A_250 : vector<16xf32>
        %parallel_loop3A_360 = arith.addf %parallel_loop3A_256, %parallel_loop3A_262 : vector<16xf32>
        %parallel_loop3A_361 = arith.addf %parallel_loop3A_268, %parallel_loop3A_274 : vector<16xf32>
        %parallel_loop3A_362 = arith.addf %parallel_loop3A_280, %parallel_loop3A_286 : vector<16xf32>
        %parallel_loop3A_363 = arith.addf %parallel_loop3A_292, %parallel_loop3A_298 : vector<16xf32>
        %parallel_loop3A_364 = arith.addf %parallel_loop3A_304, %parallel_loop3A_310 : vector<16xf32>
        %parallel_loop3A_365 = arith.addf %parallel_loop3A_316, %parallel_loop3A_322 : vector<16xf32>
        %parallel_loop3A_366 = arith.addf %parallel_loop3A_328, %parallel_loop3A_334 : vector<16xf32>
        %parallel_loop3A_367 = arith.addf %parallel_loop3A_340, %parallel_loop3A_346 : vector<16xf32>
        %parallel_loop3A_368 = arith.addf %parallel_loop3A_352, %parallel_loop3A_358 : vector<16xf32>
        %parallel_loop3A_369 = arith.addf %parallel_loop3A_359, %parallel_loop3A_360 : vector<16xf32>
        %parallel_loop3A_370 = arith.addf %parallel_loop3A_361, %parallel_loop3A_362 : vector<16xf32>
        %parallel_loop3A_371 = arith.addf %parallel_loop3A_363, %parallel_loop3A_364 : vector<16xf32>
        %parallel_loop3A_372 = arith.addf %parallel_loop3A_365, %parallel_loop3A_366 : vector<16xf32>
        %parallel_loop3A_373 = arith.addf %parallel_loop3A_367, %parallel_loop3A_368 : vector<16xf32>
        %parallel_loop3A_374 = arith.addf %parallel_loop3A_369, %parallel_loop3A_370 : vector<16xf32>
        %parallel_loop3A_375 = arith.addf %parallel_loop3A_371, %parallel_loop3A_372 : vector<16xf32>
        %parallel_loop3A_376 = arith.addf %parallel_loop3A_374, %parallel_loop3A_375 : vector<16xf32>
        %parallel_loop3A_377 = arith.addf %parallel_loop3A_376, %parallel_loop3A_373 : vector<16xf32>
        %parallel_loop3A_378 = arith.constant 7 : i32
        %parallel_loop3A_379 = arith.andi %scan3A_68, %parallel_loop3A_378 : i32
        %parallel_loop3A_380 = arith.constant 32 : i32
        %parallel_loop3A_381 = arith.muli %parallel_loop3A_379, %parallel_loop3A_380 : i32
        %parallel_loop3A_382 = arith.addi %parallel_loop3A_381, %parallel_loop3A_97 : i32
        %parallel_loop3A_383 = arith.index_cast %parallel_loop3A_382 : i32 to index
        %parallel_loop3A_384 = arith.constant 0 : index
        %parallel_loop3A_385 = tpu.vector_load %arg7[%parallel_loop3A_383, %parallel_loop3A_384] {strides = array<i32>} : memref<256x32xf32, #tpu.memory_space<vmem>>, vector<16xf32>,
        tpu.vector_store %arg7[%parallel_loop3A_383, %parallel_loop3A_384], %parallel_loop3A_238 {strides = array<i32>} : memref<256x32xf32, #tpu.memory_space<vmem>>, vector<16xf32>,
        %parallel_loop3A_386 = arith.index_cast %parallel_loop3A_382 : i32 to index
        %parallel_loop3A_387 = arith.constant 16 : index
        %parallel_loop3A_388 = tpu.vector_load %arg7[%parallel_loop3A_386, %parallel_loop3A_387] {strides = array<i32>} : memref<256x32xf32, #tpu.memory_space<vmem>>, vector<16xf32>,
        tpu.vector_store %arg7[%parallel_loop3A_386, %parallel_loop3A_387], %parallel_loop3A_377 {strides = array<i32>} : memref<256x32xf32, #tpu.memory_space<vmem>>, vector<16xf32>,
      } {sc.loop_unroll_factor = 4 : i64, sc.parallel_access}
      %and3A_90 = arith.constant 7 : i32
      %and3A_91 = arith.andi %scan3A_68, %and3A_90 : i32
      %eq3A = arith.constant 7 : i32
      %eq3A_92 = arith.cmpi eq, %and3A_91, %eq3A : i32
      %convert_element_type3A_93 = arith.extui %eq3A_92 : i1 to i32
      %cond3A_94 = arith.constant 0 : i32
      %cond3A_95 = arith.cmpi ne, %convert_element_type3A_93, %cond3A_94 : i32
      scf.if %cond3A_95 {
        %shift_right_arithmetic3A = arith.constant 3 : i32
        %shift_right_arithmetic3A_97 = arith.shrsi %scan3A_68, %shift_right_arithmetic3A : i32
        %mul3A_98 = arith.constant 32 : i32
        %mul3A_99 = arith.muli %shift_right_arithmetic3A_97, %mul3A_98 : i32
        "tpu.region"() ({
          %run_scoped3A = tpu.sem_alloc : memref<!tpu.dma_semaphore, #tpu.memory_space<semaphore_mem>>
          %dma_start3A_100 = arith.constant 0 : i32
          %dma_start3A_101 = tpu.memref_slice %arg4[%add3A, %dma_start3A_100, %mul3A_99] : memref<32x256x128xf32, #tpu.memory_space<hbm>> -> memref<1x256x32xf32, #tpu.memory_space<hbm>>
          %dma_start3A_102 = tpu.memref_squeeze %dma_start3A_101 : memref<1x256x32xf32, #tpu.memory_space<hbm>> -> memref<256x32xf32, #tpu.memory_space<hbm>>
          %dma_start3A_103 = arith.constant 0 : i32
          %dma_start3A_104 = tpu.memref_slice %arg4[%add3A, %dma_start3A_103, %mul3A_99] : memref<32x256x128xf32, #tpu.memory_space<hbm>> -> memref<1x256x32xf32, #tpu.memory_space<hbm>>
          %dma_start3A_105 = tpu.memref_squeeze %dma_start3A_104 : memref<1x256x32xf32, #tpu.memory_space<hbm>> -> memref<256x32xf32, #tpu.memory_space<hbm>>
          tpu.enqueue_dma source(%arg7 : memref<256x32xf32, #tpu.memory_space<vmem>>) target(%dma_start3A_105 : memref<256x32xf32, #tpu.memory_space<hbm>>) target_semaphore(%run_scoped3A : memref<!tpu.dma_semaphore, #tpu.memory_space<semaphore_mem>>)
          %dma_wait3A_106 = arith.constant 0 : i32
          %dma_wait3A_107 = tpu.memref_slice %arg4[%add3A, %dma_wait3A_106, %mul3A_99] : memref<32x256x128xf32, #tpu.memory_space<hbm>> -> memref<1x256x32xf32, #tpu.memory_space<hbm>>
          %dma_wait3A_108 = tpu.memref_squeeze %dma_wait3A_107 : memref<1x256x32xf32, #tpu.memory_space<hbm>> -> memref<256x32xf32, #tpu.memory_space<hbm>>
          %dma_wait3A_109 = arith.constant 0 : i32
          %dma_wait3A_110 = tpu.memref_slice %arg4[%add3A, %dma_wait3A_109, %mul3A_99] : memref<32x256x128xf32, #tpu.memory_space<hbm>> -> memref<1x256x32xf32, #tpu.memory_space<hbm>>
          %dma_wait3A_111 = tpu.memref_squeeze %dma_wait3A_110 : memref<1x256x32xf32, #tpu.memory_space<hbm>> -> memref<256x32xf32, #tpu.memory_space<hbm>>
          tpu.wait_dma2 semaphore(%run_scoped3A : memref<!tpu.dma_semaphore, #tpu.memory_space<semaphore_mem>>) src(%arg7 : memref<256x32xf32, #tpu.memory_space<vmem>>) dst(%dma_wait3A_111 : memref<256x32xf32, #tpu.memory_space<hbm>>)
          tpu.yield
        }) : () -> ()
      } else {
      }
      %scan3A_96 = arith.constant 0 : i32
      scf.yield %scan3A_96 : i32
    }
    %scan3A_67 = arith.constant 32 : i32
    return
  }
}

</mosaic_0001>

<sc_bundles>
// kernel: kernel.3.cloned.1.call-start
scs
__scs_entry_jumppad:
0x0: {  	(pc) =	sbr.rel $0x88, $3  }
0x1: {  	(tag) =	ssettag $0x0;
	lr =	simm.s32 $0x1  }
0x2: {  	[smem:$0x3F9F] =	sst lr;
	_ =	strace $0xD0000000  }
0x3: {  	_ = 	snop  }
0x4: {  	_ = 	snop  }
0x5: {  	_ = 	snop  }
0x6: {  	_ = 	snop  }
0x7: {  	_ = 	snop  }
__scs_overlays_trampoline_lowered:
0x8: {  	[smem:$0x3FAE] =	sst s0  }
0x9: {  	[smem:$0x3FAF] =	sst s1  }
0xa: {  	[smem:$0x3FB0] =	sst s2  }
0xb: {  	[smem:$0x3FB1] =	sst s3  }
0xc: {  	[smem:$0x3FB2] =	sst s4  }
0xd: {  	[smem:$0x3FB3] =	sst s5  }
0xe: {  	[smem:$0x3FB4] =	sst s6  }
0xf: {  	[smem:$0x3FB5] =	sst s7  }
0x10: {  	[smem:$0x3FB6] =	sst s8  }
0x11: {  	[smem:$0x3FB7] =	sst s9;
	s0 =	simm.s32 @!p0 $0x0  }
0x12: {  	s1 =	sld [smem:$0x3F9D];
	s0 =	simm.s32 @p0 $0x1  }
0x13: {  	[smem:$0x3FB8] =	sst s0;
	s0 =	simm.s32 @!p1 $0x0  }
0x14: {  	s2 =	sld [smem:$0x3F9C];
	s0 =	simm.s32 @p1 $0x1  }
0x15: {  	[smem:$0x3FB9] =	sst s0;
	s0 =	simm.s32 @!p2 $0x0  }
0x16: {  	s3 =	sld [smem:$0x3FDB];
	s0 =	simm.s32 @p2 $0x1  }
0x17: {  	s4 =	simm.s32 $0x1BF5;
	[smem:$0x3FBB] =	sst s0  }
0x18: {  	s0 =	sld [smem:$0x3F9E];
	_ =	swait.ge [sflag:s4], $0x0  }
0x19: {  	s7 =	sld [smem:$0x3F9F]  }
0x1a: {  	s8 =	sadd.s32 $0xFFFFE003, lr  }
0x1b: {  	s9 =	sadd.s32 $0xFFFFFEF7, lr;
	s5 =	simm.s32 $0xFFFFFFFF;
	p2 =	slt.u32 s8, $0xFFFFF086  }
0x1c: {  	p1 =	slt.u32 s9, $0xF7A;
	s5 =	simm.s32 @!p2 $0x0  }
0x1d: {  	s5 =	simm.s32 @p1 $0x1;
	p0 =	seq.s32 s7, s2  }
0x1e: {  	s7 =	smul.u32 @!p0 $0xF7A, s2;
	p2 =	seq.s32 @!p0 s5, $0x0  }
0x1f: {  	s9 =	smul.u32 $0xF7A, s1;
	s8 =	simm.s32 @!p0 $0x1BF5;
	p2 =	por !p2, p0  }
0x20: {  	[sflag:s8] =	ssyncset.s32 @!p0 $0xFFFFF086;
	s6 =	sadd.s32 @!p0 s3, s7;
	s7 =	simm.s32 @!p0 $0x108  }
0x21: {  	s3 =	sadd.s32 s3, s9;
	s6 =	sadd.s32 @!p0 $0x88, s6;
	s7 =	simm.s32 @p2 $0x1082  }
0x22: {  	[simem:s7], [sflag:s8] =	dma.local @!p0 [hbm:s6], $0xF7A  }
0x23: {  	s9 =	sor.u32 $0xD0000000, s2;
	s6 =	simm.s32 $0x108;
	_ =	swait.ge @!p0 [sflag:s8], $0x0  }
0x24: {  	s3 =	sadd.s32 $0x88, s3;
	s6 =	simm.s32 @!p1 $0x1082;
	[sflag:s4] =	ssyncset.s32 $0xFFFFF086  }
0x25: {  	[simem:s6], [sflag:s4] =	dma.local [hbm:s3], $0xF7A  }
0x26: {  	[smem:$0x3F9F] =	sst s1;
	(tag) =	ssettag s2;
	_ =	strace s9  }
0x27: {  	s1 =	sld [smem:$0x3FAF]  }
0x28: {  	s2 =	sld [smem:$0x3FB0]  }
0x29: {  	s4 =	sld [smem:$0x3FB2]  }
0x2a: {  	p0 =	seq.s32 s5, $0x0;
	s5 =	sld [smem:$0x3FB3]  }
0x2b: {  	s6 =	sld [smem:$0x3FB4]  }
0x2c: {  	s7 =	sld [smem:$0x3FB5]  }
0x2d: {  	s3 =	simm.s32 $0x108;
	s8 =	sld [smem:$0x3FB6]  }
0x2e: {  	s3 =	simm.s32 @!p0 $0x1082;
	s9 =	sld [smem:$0x3FB7]  }
0x2f: {  	lr =	sadd.s32 s0, s3;
	s0 =	sld [smem:$0x3FAE]  }
0x30: {  	s3 =	sld [smem:$0x3FB1]  }
0x31: {  	[smem:$0x3FBA] =	sst s10  }
0x32: {  	s10 =	sld [smem:$0x3FB8];
	_ =	sdelay $0x3  }
0x33: {  	p0 =	seq.s32 s10, $0x1;
	s10 =	sld [smem:$0x3FBA];
	_ =	sdelay $0x3  }
0x34: {  	[smem:$0x3FBA] =	sst s10  }
0x35: {  	s10 =	sld [smem:$0x3FB9];
	_ =	sdelay $0x3  }
0x36: {  	p1 =	seq.s32 s10, $0x1;
	s10 =	sld [smem:$0x3FBA];
	_ =	sdelay $0x3  }
0x37: {  	[smem:$0x3FBA] =	sst s10  }
0x38: {  	s10 =	sld [smem:$0x3FBB]  }
0x39: {  	_ = 	snop;
	(pc) =	sbr.ind lr, $3  }
0x3a: {  	_ = 	snop  }
0x3b: {  	_ = 	snop  }
0x3c: {  	p2 =	seq.s32 s10, $0x1;
	s10 =	sld [smem:$0x3FBA]  }
0x3d: {  	_ =	shalt  }
0x3e: {  	_ =	shalt  }
0x3f: {  	_ =	shalt  }
0x40: {  	_ =	shalt  }
0x41: {  	_ =	shalt  }
0x42: {  	_ =	shalt  }
0x43: {  	_ =	shalt  }
0x44: {  	_ =	shalt  }
0x45: {  	_ =	shalt  }
0x46: {  	_ =	shalt  }
0x47: {  	_ =	shalt  }
0x48: {  	_ =	shalt  }
0x49: {  	_ =	shalt  }
0x4a: {  	_ =	shalt  }
0x4b: {  	_ =	shalt  }
0x4c: {  	_ =	shalt  }
0x4d: {  	_ =	shalt  }
0x4e: {  	_ =	shalt  }
0x4f: {  	_ =	shalt  }
0x50: {  	_ =	shalt  }
0x51: {  	_ =	shalt  }
0x52: {  	_ =	shalt  }
0x53: {  	_ =	shalt  }
0x54: {  	_ =	shalt  }
0x55: {  	_ =	shalt  }
0x56: {  	_ =	shalt  }
0x57: {  	_ =	shalt  }
0x58: {  	_ =	shalt  }
0x59: {  	_ =	shalt  }
0x5a: {  	_ =	shalt  }
0x5b: {  	_ =	shalt  }
0x5c: {  	_ =	shalt  }
0x5d: {  	_ =	shalt  }
0x5e: {  	_ =	shalt  }
0x5f: {  	_ =	shalt  }
0x60: {  	_ =	shalt  }
0x61: {  	_ =	shalt  }
0x62: {  	_ =	shalt  }
0x63: {  	_ =	shalt  }
0x64: {  	_ =	shalt  }
0x65: {  	_ =	shalt  }
0x66: {  	_ =	shalt  }
0x67: {  	_ =	shalt  }
0x68: {  	_ =	shalt  }
0x69: {  	_ =	shalt  }
0x6a: {  	_ =	shalt  }
0x6b: {  	_ =	shalt  }
0x6c: {  	_ =	shalt  }
0x6d: {  	_ =	shalt  }
0x6e: {  	_ =	shalt  }
0x6f: {  	_ =	shalt  }
0x70: {  	_ =	shalt  }
0x71: {  	_ =	shalt  }
0x72: {  	_ =	shalt  }
0x73: {  	_ =	shalt  }
0x74: {  	_ =	shalt  }
0x75: {  	_ =	shalt  }
0x76: {  	_ =	shalt  }
0x77: {  	_ =	shalt  }
0x78: {  	_ =	shalt  }
0x79: {  	_ =	shalt  }
0x7a: {  	_ =	shalt  }
0x7b: {  	_ =	shalt  }
0x7c: {  	_ =	shalt  }
0x7d: {  	_ =	shalt  }
0x7e: {  	_ =	shalt  }
0x7f: {  	_ =	shalt  }
0x80: {  	_ =	shalt  }
0x81: {  	_ =	shalt  }
0x82: {  	_ =	shalt  }
0x83: {  	_ =	shalt  }
0x84: {  	_ =	shalt  }
0x85: {  	_ =	shalt  }
0x86: {  	_ =	shalt  }
0x87: {  	_ =	shalt  }
.Lfunc_end0:
.L_simem_size_0:
called_computation_lowered:
.L_overlay_start_0:
0x88: {  	s2 =	sld [smem:$0x3FD9]  }
0x89: {  	s3 =	sld [smem:$0x3FFE];
	_ =	sdelay $0x1  }
0x8a: {  	s1 =	srdreg.scid  }
0x8b: {  	s0 =	sand.u32 $0x1, s1  }
0x8c: {  	s17 =	sshll.u32 s0, $0xA;
	s2 =	sadd.s32 s3, s2  }
0x8d: {  	s2 =	sadd.s32 s2, s17  }
0x8e: {  	[smem:$0x3FC6] =	sst s2  }
0x8f: {  	_ = 	snop  }
0x90: {  	s2 =	sld [smem:$0x3FD0];
	(tm) =	ssettm $0x1  }
0x91: {  	s18 =	sld [smem:$0x3FFB];
	_ =	sdelay $0x3  }
0x92: {  	_ =	strace s18  }
0x93: {  	s3 =	sld [smem:$0x3FFC];
	_ =	sdelay $0x3  }
0x94: {  	_ =	strace s3  }
0x95: {  	s3 =	sld [smem:$0x3FFD];
	_ =	sdelay $0x3  }
0x96: {  	_ =	strace s3  }
0x97: {  	_ =	strace $0x8FFFFFFF  }
0x98: {  	s19 =	sld [smem:$0x3FDB];
	_ =	sdelay $0x1  }
0x99: {  	s4 =	simm.s32 $_scs_section_size  }
0x9a: {  	s5 =	simm.s32 $_size__tile_overlayer_lowered;
	s6 =	simm.s32 $_tile_overlayer_lowered  }
0x9b: {  	s22 =	simm.s32 $0x1BFF;
	s21 =	sshll.u32 s6, $0x1;
	s3 =	sadd.s32 s4, s19  }
0x9c: {  	s7 =	simm.s32 $0x0;
	s20 =	sshll.u32 s5, $0x1;
	s5 =	sadd.s32 s21, s3  }
0x9d: {  	[timem:s7], [sflag:s22] =	dma.local [hbm:s5], s20  }
0x9e: {  	_ =	swait.ge [sflag:s22], s20  }
0x9f: {  	s4 =	ssub.s32 $0x0, s20;
	[sflag:s22] =	ssyncset.done $0x0  }
0xa0: {  	[sflag:s22] =	ssyncadd.s32 s4;
	_ =	sdelay $0x1  }
0xa1: {  	s23 =	simm.s32 $0x1B8B  }
0xa2: {  	_ =	swait.ge [sflag:s23], $0x1  }
0xa3: {  	[sflag:s23] =	ssyncset.done $0x0  }
0xa4: {  	s25 =	simm.s32 $0x1B8E;
	s24 =	sld [smem:$0x3FFE];
	[sflag:s23] =	ssyncadd.s32 $0xFFFFFFFF  }
0xa5: {  	s26 =	simm.s32 $execute0_lowered;
	[smem:$0x3FD2] =	sst s25  }
0xa6: {  	s5 =	sshll.u32 s26, $0x1;
	_ =	strace $0x80000046;
	[dreg:$0x1] =	wrdreg $0xFFFFFFFF  }
0xa7: {  	s28 =	simm.s32 $_size_execute0_lowered;
	s3 =	sadd.s32 s3, s5;
	[dreg:$0x0] =	wrdreg $0x0  }
0xa8: {  	s5 =	sshll.u32 s28, $0x1;
	[dreg:$0x2] =	wrdreg s3  }
0xa9: {  	[dreg:$0x3] =	wrdreg s5  }
0xaa: {  	[dreg:$0x4] =	wrdreg $0xC0  }
0xab: {  	_ =	task [dreg:s7], $0x5FFFF  }
0xac: {  	[dreg:$0x1] =	wrdreg $0xFFFFFFFF  }
0xad: {  	[dreg:$0x0] =	wrdreg $0x60  }
0xae: {  	[dreg:$0x2] =	wrdreg s24  }
0xaf: {  	[dreg:$0x3] =	wrdreg s2  }
0xb0: {  	[dreg:$0x4] =	wrdreg $0x9  }
0xb1: {  	_ =	task.clear_ibuf [dreg:s7], $0x5FFFF;
	_ =	strace $0x90000046  }
0xb2: {  	s29 =	simm.s32 $0x9;
	_ =	strace $0x80000048  }
0xb3: {  	_ =	swait.ge [sflag:s29], $0x1  }
0xb4: {  	[sflag:s29] =	ssyncadd.s32 $0xFFFFFFFF  }
0xb5: {  	_ =	strace $0x90000048  }
0xb6: {  	_ =	sfence  }
0xb7: {  	s30 =	sld [smem:$0x0];
	_ =	sdelay $0x2  }
0xb8: {  	s31 =	sshll.u32 s1, $0xD;
	s1 =	sshrl.u32 s1, $0x2  }
0xb9: {  	s3 =	sand.u32 $0x4000, s31;
	s1 =	sadd.s32 s1, s30  }
0xba: {  	s0 =	sor.u32 s3, s0;
	s1 =	sshll.u32 s1, $0x11  }
0xbb: {  	s0 =	sor.u32 s1, s0  }
0xbc: {  	s0 =	sadd.s32 $0x8F2B, s0  }
0xbd: {  	[sflag:s0] =	ssyncadd.remote.s32 $0x1  }
0xbe: {  	_ =	sfence.sel $0xFFFF  }
0xbf: {  	[dreg:$0x0] =	wrdreg $0xFFFFFFFF;
	(pc) =	sbr.abs _section_cstart, $3  }
0xc0: {  	[dreg:$0x1] =	wrdreg $0xFFFFFFFF  }
0xc1: {  	_ =	task.clear_ibuf [dreg:s7], $0x2FFFF;
	_ =	strace $0x9FFFFFFF  }
0xc2: {  	(tm) =	ssettm $0x7FFFFFFF  }
0xc3: {  	_ =	shalt  }
tec
execute0_lowered:
.L_overlay_start_1:
0x0: {  	(tag) =	ssettag $0x1  }
0x1: {  	s4 =	rddreg [dreg:$0x0];
	s1 =	srdreg.scid  }
0x2: {  	s0 =	stileid.u32;
	s2 =	rddreg [dreg:$0x1];
	s3 =	simm.s32 $0x0  }
0x3: {  	s9 =	simm.s32 $0x80;
	s10 =	simm.s32 $0x5000;
	s11 =	simm.s32 $0x6000  }
0x4: {  	s12 =	simm.s32 $0x100;
	s13 =	simm.s32 $0x7000;
	s14 =	simm.s32 $0x180  }
0x5: {  	s15 =	simm.s32 $0x8000;
	s16 =	simm.s32 $0x200;
	s17 =	simm.s32 $0x9000  }
0x6: {  	s18 =	simm.s32 $0x1;
	s5 =	sand.u32 $0x1, s1;
	s6 =	sshll.u32 s0, $0x1  }
0x7: {  	s19 =	simm.s32 $0x0;
	s1 =	rddreg [dreg:$0x2];
	s6 =	sor.u32 s5, s6  }
0x8: {  	[smem:$0x7FF] =	sst s3;
	s5 =	ssub.s32 $0x2, s5;
	s7 =	smul.u32 $0xA00, s6  }
0x9: {  	_ =	strace $0x80000047;
	s8 =	sshrl.u32 s5, $0x1;
	s6 =	sshll.u32 s6, $0xF  }
0xa: {  	s8 =	ssub.s32 s5, s8;
	s7 =	sadd.s32 s7, s4;
	s4 =	sadd.s32 $0x187C00, s4  }
0xb: {  	s5 =	sadd.s32 $0x1000, s7;
	s7 =	smax.u32 s8, $0x1;
	s8 =	simm.s32 $0x2  }
.LBB2_1:
0xc: {  	[tilespmem:s3], [sflag:$0x2] =	stream.linear.gather [hbm4b:s5+s3], $0x5000, $0x38;
	[tilespmem:$0x11000] =	vst v63  }
0xd: {  	_ =	swait.ge [sflag:s8], $0x5000  }
0xe: {  	[sflag:s8] =	ssyncset.done $0x0  }
0xf: {  	[sflag:s8] =	ssyncadd.s32 $0xFFFFB000  }
0x10: {  	[tilespmem:s10], [sflag:$0x1] =	stream.indirect.gather [hbm4b:s4+s9], $0x20, s3, s9, $0xb8;
	[tilespmem:$0x11000] =	vst v63  }
0x11: {  	_ = 	snop  }
0x12: {  	[tilespmem:s11], [sflag:$0x1] =	stream.indirect.gather [hbm4b:s4+s9], $0x20, s9, s9, $0xb8;
	[tilespmem:$0x11000] =	vst v63  }
0x13: {  	_ = 	snop  }
0x14: {  	[tilespmem:s13], [sflag:$0x1] =	stream.indirect.gather [hbm4b:s4+s9], $0x20, s12, s9, $0xb8;
	[tilespmem:$0x11000] =	vst v63  }
0x15: {  	_ = 	snop  }
0x16: {  	[tilespmem:s15], [sflag:$0x1] =	stream.indirect.gather [hbm4b:s4+s9], $0x20, s14, s9, $0xb8;
	[tilespmem:$0x11000] =	vst v63  }
0x17: {  	p0 =	por $0x0, $0x0;
	s20 =	simm.s32 $0x0;
	s22 =	simm.s32 $0x0  }
0x18: {  	[tilespmem:s17], [sflag:$0x1] =	stream.indirect.gather [hbm4b:s4+s9], $0x20, s16, s9, $0xb8;
	[tilespmem:$0x11000] =	vst v63  }
.LBB2_2:
0x19: {  	s23 =	sand.u32 $0x1, s22;
	p1 =	seq.s32 s22, $0x1F  }
0x1a: {  	s21 =	sadd.s32 $0x1, s22;
	s23 =	sxor.u32 @!p1 $0x1, s23  }
0x1b: {  	s24 =	sshrl.u32 @!p1 s21, $0x3;
	s23 =	smul.u32 @!p1 $0x14000, s23  }
0x1c: {  	s25 =	sand.u32 @!p1 $0x7, s21;
	s24 =	smul.u32 @!p1 $0x5000, s24  }
0x1d: {  	_ =	swait.ge [sflag:s18], $0x5000;
	s25 =	smul.u32 @!p1 $0xA00, s25  }
0x1e: {  	s26 =	simm.s32 $0x1;
	[sflag:s18] =	ssyncset.done $0x0;
	s29 =	simm.s32 @!p1 $0x80  }
0x1f: {  	s23 =	sshrl.u32 @!p1 s23, $0x2;
	s24 =	sshra.s32 @!p1 s24, $0x2;
	s25 =	sshrl.u32 @!p1 s25, $0x2  }
0x20: {  	[sflag:s18] =	ssyncadd.s32 $0xFFFFB000;
	s28 =	sadd.s32 @!p1 $0x5000, s23;
	s24 =	sadd.s32 @!p1 s25, s24  }
0x21: {  	[tilespmem:s28], [sflag:$0x1] =	stream.indirect.gather @!p1 [hbm4b:s4+s29], $0x20, s24, s29, $0xb8;
	[tilespmem:$0x11000] =	vst v63  }
0x22: {  	s26 =	simm.s32 @!p0 $0x0;
	s25 =	sadd.s32 @!p1 $0x6000, s23;
	s28 =	sadd.s32 @!p1 $0x80, s24  }
0x23: {  	[tilespmem:s25], [sflag:$0x1] =	stream.indirect.gather @!p1 [hbm4b:s4+s29], $0x20, s28, s29, $0xb8;
	[tilespmem:$0x11000] =	vst v63  }
0x24: {  	s30 =	smul.u32 $0x14000, s26;
	s26 =	sadd.s32 @!p1 $0x7000, s23;
	s28 =	sadd.s32 @!p1 $0x100, s24  }
0x25: {  	[tilespmem:s26], [sflag:$0x1] =	stream.indirect.gather @!p1 [hbm4b:s4+s29], $0x20, s28, s29, $0xb8;
	[tilespmem:$0x11000] =	vst v63  }
0x26: {  	s25 =	sshrl.u32 s30, $0x2;
	s26 =	sor.u32 @!p1 $0x8000, s23;
	s28 =	sadd.s32 @!p1 $0x180, s24  }
0x27: {  	[tilespmem:s26], [sflag:$0x1] =	stream.indirect.gather @!p1 [hbm4b:s4+s29], $0x20, s28, s29, $0xb8;
	[tilespmem:$0x11000] =	vst v63  }
0x28: {  	s25 =	sadd.s32 $0x5500, s25;
	s23 =	sadd.s32 @!p1 $0x9000, s23;
	s24 =	sadd.s32 @!p1 $0x200, s24  }
0x29: {  	[tilespmem:s23], [sflag:$0x1] =	stream.indirect.gather @!p1 [hbm4b:s4+s29], $0x20, s24, s29, $0xb8;
	[tilespmem:$0x11000] =	vst v63  }
0x2a: {  	v0 =	vld [tilespmem:s25+$0x490];
	_ =	sdelay $0x1  }
0x2b: {  	v1 =	vld [tilespmem:s25+$0x480]  }
0x2c: {  	v2 =	vld [tilespmem:s25+$0x4A0]  }
0x2d: {  	v3 =	vld [tilespmem:s25+$0x4C0]  }
0x2e: {  	v4 =	vld [tilespmem:s25+$0x4E0];
	[tilespmem:$0x1FE70] =	vst v0  }
0x2f: {  	v0 =	vld [tilespmem:s25+$0x4B0];
	_ =	sdelay $0x4  }
0x30: {  	[tilespmem:$0x1FE80] =	vst v0  }
0x31: {  	v0 =	vld [tilespmem:s25+$0x280];
	_ =	sdelay $0x3  }
0x32: {  	v7 =	vld [tilespmem:s25+$0x4D0]  }
0x33: {  	v8 =	vld [tilespmem:s25+$0x4F0];
	[tilespmem:$0x1FE90] =	vst v0  }
0x34: {  	v10 =	vld [tilespmem:s25+$0x290]  }
0x35: {  	v11 =	vld [tilespmem:s25+$0x2B0]  }
0x36: {  	v12 =	vld [tilespmem:s25+$0x2D0]  }
0x37: {  	v13 =	vld [tilespmem:s25+$0x2F0]  }
0x38: {  	v14 =	vld [tilespmem:s25+$0x310]  }
0x39: {  	v15 =	vld [tilespmem:s25+$0x330]  }
0x3a: {  	v16 =	vld [tilespmem:s25+$0x350]  }
0x3b: {  	v17 =	vld [tilespmem:s25+$0x370]  }
0x3c: {  	v18 =	vld [tilespmem:s25+$0x390]  }
0x3d: {  	v19 =	vld [tilespmem:s25+$0x3B0]  }
0x3e: {  	v20 =	vld [tilespmem:s25+$0x3D0]  }
0x3f: {  	v21 =	vld [tilespmem:s25+$0x3F0]  }
0x40: {  	v22 =	vld [tilespmem:s25+$0x410]  }
0x41: {  	v23 =	vld [tilespmem:s25+$0x430]  }
0x42: {  	v24 =	vld [tilespmem:s25+$0x450]  }
0x43: {  	v25 =	vld [tilespmem:s25+$0x470]  }
0x44: {  	v26 =	vld [tilespmem:s25+$0x2A0]  }
0x45: {  	v27 =	vld [tilespmem:s25+$0x2C0]  }
0x46: {  	v28 =	vld [tilespmem:s25+$0x2E0]  }
0x47: {  	v29 =	vld [tilespmem:s25+$0x300]  }
0x48: {  	v30 =	vld [tilespmem:s25+$0x320]  }
0x49: {  	v31 =	vld [tilespmem:s25+$0x340]  }
0x4a: {  	v32 =	vld [tilespmem:s25+$0x360]  }
0x4b: {  	v33 =	vld [tilespmem:s25+$0x380]  }
0x4c: {  	v34 =	vld [tilespmem:s25+$0x3A0]  }
0x4d: {  	v35 =	vld [tilespmem:s25+$0x3C0]  }
0x4e: {  	v0 =	vld [tilespmem:s25+$0xFFFFFB20]  }
0x4f: {  	v36 =	vld [tilespmem:s25+$0x3E0]  }
0x50: {  	v37 =	vld [tilespmem:s25+$0x400]  }
0x51: {  	v38 =	vld [tilespmem:s25+$0x420]  }
0x52: {  	v39 =	vld [tilespmem:s25+$0x440]  }
0x53: {  	v40 =	vld [tilespmem:s25+$0x460];
	[tilespmem:$0x1FFF0] =	vst v0  }
0x54: {  	v41 =	vld [tilespmem:s25+$0xFFFFFB40]  }
0x55: {  	v42 =	vld [tilespmem:s25+$0xFFFFFB60]  }
0x56: {  	v43 =	vld [tilespmem:s25+$0xFFFFFB80]  }
0x57: {  	v44 =	vld [tilespmem:s25+$0xFFFFFBA0]  }
0x58: {  	v45 =	vld [tilespmem:s25+$0xFFFFFBC0]  }
0x59: {  	v46 =	vld [tilespmem:s25+$0xFFFFFBE0]  }
0x5a: {  	v47 =	vld [tilespmem:s25+$0xFFFFFC00]  }
0x5b: {  	v48 =	vld [tilespmem:s25+$0xFFFFFC20]  }
0x5c: {  	v49 =	vld [tilespmem:s25+$0xFFFFFC40]  }
0x5d: {  	v0 =	vld [tilespmem:s25+$0xFFFFFB10]  }
0x5e: {  	v50 =	vld [tilespmem:s25+$0xFFFFFC60]  }
0x5f: {  	v51 =	vld [tilespmem:s25+$0xFFFFFC80]  }
0x60: {  	v52 =	vld [tilespmem:s25+$0xFFFFFCA0]  }
0x61: {  	v53 =	vld [tilespmem:s25+$0xFFFFFCC0]  }
0x62: {  	v54 =	vld [tilespmem:s25+$0xFFFFFCE0];
	[tilespmem:$0x1FEA0] =	vst v0  }
0x63: {  	v56 =	vld [tilespmem:s25+$0xFFFFFB30]  }
0x64: {  	v57 =	vld [tilespmem:s25+$0xFFFFFB50]  }
0x65: {  	v58 =	vld [tilespmem:s25+$0xFFFFFB70]  }
0x66: {  	v59 =	vld [tilespmem:s25+$0xFFFFFB90]  }
0x67: {  	v5 =	vld [tilespmem:s25+$0xFFFFFC50]  }
0x68: {  	v60 =	vld [tilespmem:s25+$0xFFFFFBB0]  }
0x69: {  	v61 =	vld [tilespmem:s25+$0xFFFFFBD0]  }
0x6a: {  	v62 =	vld [tilespmem:s25+$0xFFFFFBF0]  }
0x6b: {  	v63 =	vld [tilespmem:s25+$0xFFFFFC10]  }
0x6c: {  	v0 =	vld [tilespmem:s25+$0xFFFFFC30];
	[tilespmem:$0x1FEB0] =	vst v5  }
0x6d: {  	v5 =	vld [tilespmem:s25+$0xFFFFFC70];
	_ =	sdelay $0x4  }
0x6e: {  	[tilespmem:$0x1FEC0] =	vst v5  }
0x6f: {  	v5 =	vld [tilespmem:s25+$0xFFFFFC90];
	_ =	sdelay $0x4  }
0x70: {  	[tilespmem:$0x1FED0] =	vst v5  }
0x71: {  	v6 =	vld [tilespmem:s25+$0xFFFFFD80];
	_ =	sdelay $0x2  }
0x72: {  	v9 =	vld [tilespmem:s25+$0xFFFFFCB0]  }
0x73: {  	v55 =	vld [tilespmem:s25+$0xFFFFFCD0]  }
0x74: {  	v5 =	vld [tilespmem:s25+$0xFFFFFCF0];
	[tilespmem:$0x1FEE0] =	vst v6  }
0x75: {  	v6 =	vld [tilespmem:s25+$0xFFFFFDA0];
	_ =	sdelay $0x4  }
0x76: {  	[tilespmem:$0x1FEF0] =	vst v6  }
0x77: {  	v6 =	vld [tilespmem:s25+$0xFFFFFDC0];
	_ =	sdelay $0x4  }
0x78: {  	[tilespmem:$0x1FF00] =	vst v6  }
0x79: {  	v6 =	vld [tilespmem:s25+$0xFFFFFDE0];
	_ =	sdelay $0x4  }
0x7a: {  	[tilespmem:$0x1FF10] =	vst v6  }
0x7b: {  	v6 =	vld [tilespmem:s25+$0xFFFFFE00];
	_ =	sdelay $0x4  }
0x7c: {  	[tilespmem:$0x1FF20] =	vst v6  }
0x7d: {  	v6 =	vld [tilespmem:s25+$0xFFFFFE20];
	_ =	sdelay $0x4  }
0x7e: {  	[tilespmem:$0x1FF30] =	vst v6  }
0x7f: {  	v6 =	vld [tilespmem:s25+$0xFFFFFE40];
	_ =	sdelay $0x4  }
0x80: {  	[tilespmem:$0x1FF40] =	vst v6  }
0x81: {  	v6 =	vld [tilespmem:s25+$0xFFFFFE60];
	_ =	sdelay $0x4  }
0x82: {  	[tilespmem:$0x1FF50] =	vst v6  }
0x83: {  	v6 =	vld [tilespmem:s25+$0xFFFFFE80];
	_ =	sdelay $0x4  }
0x84: {  	[tilespmem:$0x1FF60] =	vst v6  }
0x85: {  	v6 =	vld [tilespmem:s25+$0xFFFFFEA0];
	_ =	sdelay $0x4  }
0x86: {  	[tilespmem:$0x1FF70] =	vst v6  }
0x87: {  	v6 =	vld [tilespmem:s25+$0xFFFFFEC0];
	_ =	sdelay $0x4  }
0x88: {  	[tilespmem:$0x1FF80] =	vst v6  }
0x89: {  	v6 =	vld [tilespmem:s25+$0xFFFFFEE0];
	_ =	sdelay $0x4  }
0x8a: {  	[tilespmem:$0x1FF90] =	vst v6  }
0x8b: {  	v6 =	vld [tilespmem:s25+$0xFFFFFF00];
	_ =	sdelay $0x4  }
0x8c: {  	[tilespmem:$0x1FFA0] =	vst v6  }
0x8d: {  	v1 =	vadd.f32 v2, v1;
	v2 =	vadd.f32 v4, v3;
	v6 =	vld [tilespmem:s25+$0xFFFFFF20]  }
0x8e: {  	v4 =	vadd.f32 v11, v10;
	v10 =	vadd.f32 v13, v12  }
0x8f: {  	v12 =	vadd.f32 v15, v14;
	v15 =	vadd.f32 v19, v18  }
0x90: {  	v18 =	vadd.f32 v23, v22;
	v25 =	vadd.f32 v25, v24  }
0x91: {  	v24 =	vld [tilespmem:$0x1FE80]  }
0x92: {  	v13 =	vadd.f32 v17, v16;
	v23 =	vadd.f32 v25, v18;
	v25 =	vld [tilespmem:$0x1FE90];
	[tilespmem:$0x1FFB0] =	vst v6  }
0x93: {  	v16 =	vadd.f32 v21, v20;
	v21 =	vadd.f32 v42, v41;
	v6 =	vld [tilespmem:s25+$0xFFFFFF40]  }
0x94: {  	v48 =	vadd.f32 v48, v47;
	v50 =	vadd.f32 v50, v49;
	v42 =	vld [tilespmem:$0x1FEA0]  }
0x95: {  	v51 =	vadd.f32 v52, v51;
	v47 =	vld [tilespmem:$0x1FEC0]  }
0x96: {  	v52 =	vadd.f32 v54, v53;
	v53 =	vadd.f32 v50, v48;
	v48 =	vld [tilespmem:$0x1FED0]  }
0x97: {  	v49 =	vld [tilespmem:$0x1FEE0]  }
0x98: {  	v4 =	vadd.f32 v10, v4;
	v50 =	vld [tilespmem:$0x1FEF0];
	[tilespmem:$0x1FFC0] =	vst v6  }
0x99: {  	v10 =	vadd.f32 v13, v12;
	v22 =	vadd.f32 v16, v15;
	v6 =	vld [tilespmem:s25+$0xFFFFFF60]  }
0x9a: {  	v54 =	vadd.f32 v52, v51;
	v51 =	vld [tilespmem:$0x1FF00]  }
0x9b: {  	v4 =	vadd.f32 v10, v4;
	v10 =	vadd.f32 v23, v22;
	v52 =	vld [tilespmem:$0x1FF10]  }
0x9c: {  	v23 =	vadd.f32 v54, v53;
	v53 =	vld [tilespmem:$0x1FF30]  }
0x9d: {  	v32 =	vadd.f32 v32, v31;
	v4 =	vadd.f32 v10, v4;
	v54 =	vld [tilespmem:$0x1FF40]  }
0x9e: {  	v10 =	vadd.f32 v30, v29;
	v5 =	vadd.f32 v5, v55;
	v55 =	vld [tilespmem:$0x1FF50];
	[tilespmem:$0x1FFD0] =	vst v6  }
0x9f: {  	v6 =	vld [tilespmem:s25+$0xFFFFFD90]  }
0xa0: {  	v10 =	vadd.f32 v32, v10;
	v32 =	vadd.f32 v56, v42;
	v56 =	vld [tilespmem:$0x1FF60]  }
0xa1: {  	v44 =	vadd.f32 v44, v43;
	v43 =	vadd.f32 v58, v57;
	v57 =	vld [tilespmem:$0x1FF70]  }
0xa2: {  	v58 =	vld [tilespmem:$0x1FF80]  }
0xa3: {  	v0 =	vadd.f32 v0, v63;
	v63 =	vld [tilespmem:$0x1FFD0]  }
0xa4: {  	[tilespmem:$0x1FFE0] =	vst v6;
	v6 =	vld [tilespmem:$0x1FE70]  }
0xa5: {  	v3 =	vld [tilespmem:s25+$0xFFFFFDB0]  }
0xa6: {  	v11 =	vld [tilespmem:s25+$0xFFFFFDD0]  }
0xa7: {  	v14 =	vld [tilespmem:s25+$0xFFFFFDF0]  }
0xa8: {  	v17 =	vld [tilespmem:s25+$0xFFFFFE10]  }
0xa9: {  	v20 =	vld [tilespmem:s25+$0xFFFFFE30]  }
0xaa: {  	v12 =	vld [tilespmem:s25+$0xFFFFFE50]  }
0xab: {  	v16 =	vld [tilespmem:s25+$0xFFFFFE70]  }
0xac: {  	v7 =	vadd.f32 v8, v7;
	v8 =	vld [tilespmem:s25+$0xFFFFFE90]  }
0xad: {  	v13 =	vld [tilespmem:s25+$0xFFFFFEB0]  }
0xae: {  	v19 =	vld [tilespmem:s25+$0xFFFFFED0]  }
0xaf: {  	v22 =	vld [tilespmem:s25+$0xFFFFFF10]  }
0xb0: {  	v18 =	vadd.f32 v28, v27;
	v15 =	vadd.f32 v26, v25;
	v25 =	vld [tilespmem:s25+$0xFFFFFF30]  }
0xb1: {  	v28 =	vld [tilespmem:s25+$0xFFFFFF50]  }
0xb2: {  	v15 =	vadd.f32 v18, v15;
	v18 =	vld [tilespmem:s25+$0xFFFFFF70]  }
0xb3: {  	v26 =	vld [tilespmem:s25+$0x60]  }
0xb4: {  	v34 =	vadd.f32 v34, v33;
	v36 =	vadd.f32 v36, v35;
	v27 =	vld [tilespmem:s25+$0x80]  }
0xb5: {  	v37 =	vadd.f32 v38, v37;
	v31 =	vld [tilespmem:s25+$0xA0]  }
0xb6: {  	v38 =	vadd.f32 v40, v39;
	v39 =	vadd.f32 v36, v34;
	v34 =	vld [tilespmem:s25+$0xC0]  }
0xb7: {  	v30 =	vld [tilespmem:s25+$0x100]  }
0xb8: {  	v35 =	vld [tilespmem:s25+$0x120]  }
0xb9: {  	v40 =	vadd.f32 v38, v37;
	v9 =	vadd.f32 v9, v48;
	v38 =	vld [tilespmem:s25+$0x140]  }
0xba: {  	v33 =	vld [tilespmem:s25+$0x160]  }
0xbb: {  	v5 =	vadd.f32 v5, v9;
	v9 =	vld [tilespmem:s25+$0x1E0]  }
0xbc: {  	v41 =	vld [tilespmem:s25+$0x10]  }
0xbd: {  	v42 =	vld [tilespmem:s25+$0x30];
	v6 =	vadd.f32 v24, v6  }
0xbe: {  	v32 =	vadd.f32 v43, v32;
	v43 =	vld [tilespmem:s25+$0x50]  }
0xbf: {  	v24 =	vld [tilespmem:s25+$0x0];
	v6 =	vadd.f32 v7, v6  }
0xc0: {  	v7 =	vld [tilespmem:s25+$0xFFFFFEF0]  }
0xc1: {  	v2 =	vadd.f32 v2, v1;
	v1 =	vadd.f32 v6, v4;
	v4 =	vld [tilespmem:s25+$0x20]  }
0xc2: {  	v6 =	vadd.f32 v10, v15;
	v15 =	vld [tilespmem:s25+$0x40]  }
0xc3: {  	v10 =	vadd.f32 v40, v39;
	v39 =	vld [tilespmem:s25+$0x180]  }
0xc4: {  	v40 =	vld [tilespmem:s25+$0x1A0]  }
0xc5: {  	v6 =	vadd.f32 v10, v6;
	v10 =	vadd.f32 v46, v45;
	v46 =	vld [tilespmem:$0x1FEB0]  }
0xc6: {  	v45 =	vadd.f32 v62, v61;
	v61 =	vld [tilespmem:$0x1FFB0]  }
0xc7: {  	v62 =	vld [tilespmem:$0x1FFC0]  }
0xc8: {  	v2 =	vadd.f32 v2, v6;
	v6 =	vadd.f32 v10, v44;
	v10 =	vld [tilespmem:s25+$0xE0]  }
0xc9: {  	v11 =	vadd.f32 v14, v11;
	v44 =	vadd.f32 v60, v59;
	v59 =	vld [tilespmem:$0x1FF90]  }
0xca: {  	v17 =	vadd.f32 v20, v17;
	v12 =	vadd.f32 v16, v12;
	v60 =	vld [tilespmem:$0x1FFA0]  }
0xcb: {  	v8 =	vadd.f32 v13, v8;
	v39 =	vadd.f32 v40, v39;
	v40 =	vld [tilespmem:s25+$0xFFFFFD40]  }
0xcc: {  	v36 =	vadd.f32 v45, v44;
	v44 =	vadd.f32 v57, v56;
	v56 =	vld [tilespmem:s25+$0x110]  }
0xcd: {  	v18 =	vadd.f32 v18, v28;
	v35 =	vadd.f32 v35, v30;
	v57 =	vld [tilespmem:s25+$0x130]  }
0xce: {  	v12 =	vadd.f32 v12, v17;
	v37 =	vadd.f32 v47, v46;
	v46 =	vld [tilespmem:s25+$0x70]  }
0xcf: {  	v7 =	vadd.f32 v7, v19;
	v48 =	vadd.f32 v63, v62;
	v62 =	vld [tilespmem:s25+$0x1F0]  }
0xd0: {  	v4 =	vadd.f32 v4, v24;
	v15 =	vadd.f32 v26, v15;
	v63 =	vld [tilespmem:s25+$0xFFFFFB00]  }
0xd1: {  	v7 =	vadd.f32 v7, v8;
	v29 =	vadd.f32 v36, v32;
	v32 =	vld [tilespmem:s25+$0x1C0]  }
0xd2: {  	v15 =	vadd.f32 v15, v4;
	v36 =	vadd.f32 v50, v49;
	v49 =	vld [tilespmem:s25+$0x90]  }
0xd3: {  	v50 =	vld [tilespmem:s25+$0xB0];
	v0 =	vadd.f32 v37, v0;
	v37 =	vadd.f32 v52, v51  }
0xd4: {  	v45 =	vadd.f32 v59, v58;
	v47 =	vadd.f32 v61, v60;
	v58 =	vld [tilespmem:s25+$0x170]  }
0xd5: {  	v59 =	vadd.f32 v25, v22;
	v0 =	vadd.f32 v5, v0;
	v5 =	vld [tilespmem:$0x1FF20]  }
0xd6: {  	v36 =	vadd.f32 v37, v36;
	v37 =	vadd.f32 v55, v54;
	v54 =	vld [tilespmem:$0x1FFE0]  }
0xd7: {  	v61 =	vld [tilespmem:s25+$0x1D0];
	v10 =	vadd.f32 v10, v34;
	v8 =	vadd.f32 v18, v59  }
0xd8: {  	v51 =	vadd.f32 v45, v44;
	v52 =	vadd.f32 v48, v47;
	v44 =	vld [tilespmem:s25+$0xFFFFFD50]  }
0xd9: {  	v48 =	vld [tilespmem:s25+$0xFFFFFD70];
	v0 =	vadd.f32 v0, v29;
	v7 =	vadd.f32 v8, v7  }
0xda: {  	v55 =	vld [tilespmem:s25+$0xF0];
	v9 =	vadd.f32 v9, v32;
	v5 =	vadd.f32 v53, v5  }
0xdb: {  	v8 =	vadd.f32 v31, v27;
	v53 =	vld [tilespmem:s25+$0xD0];
	v3 =	vadd.f32 v3, v54  }
0xdc: {  	v60 =	vld [tilespmem:s25+$0x190];
	v9 =	vadd.f32 v9, v39;
	v5 =	vadd.f32 v37, v5  }
0xdd: {  	v37 =	vadd.f32 v52, v51;
	v3 =	vadd.f32 v11, v3;
	v51 =	vld [tilespmem:$0x1FFF0]  }
0xde: {  	v59 =	vadd.f32 v48, v44;
	v11 =	vld [tilespmem:s25+$0x150];
	v5 =	vadd.f32 v5, v36  }
0xdf: {  	v34 =	vld [tilespmem:s25+$0xFFFFFD00];
	v3 =	vadd.f32 v12, v3;
	v12 =	vadd.f32 v62, v61  }
0xe0: {  	v47 =	vadd.f32 v55, v53;
	v53 =	vld [tilespmem:s25+$0xFFFFFFC0];
	v20 =	vadd.f32 v37, v5  }
0xe1: {  	v55 =	vld [tilespmem:s25+$0xFFFFFFE0];
	v37 =	vadd.f32 v33, v38;
	v4 =	vadd.f32 v7, v3  }
0xe2: {  	v5 =	vld [tilespmem:s25+$0x1B0];
	v3 =	vadd.f32 v10, v8;
	v18 =	vadd.f32 v51, v63  }
0xe3: {  	v52 =	vld [tilespmem:s25+$0xFFFFFFA0];
	v11 =	vadd.f32 v58, v11;
	v8 =	vadd.f32 v37, v35  }
0xe4: {  	v38 =	vld [tilespmem:s25+$0xFFFFFD20];
	v15 =	vadd.f32 v3, v15;
	v3 =	vadd.f32 v42, v41  }
0xe5: {  	v7 =	vld [tilespmem:s25+$0xFFFFFD60];
	v54 =	vadd.f32 v21, v18;
	v8 =	vadd.f32 v9, v8  }
0xe6: {  	v10 =	vld [tilespmem:s25+$0xFFFFFD10];
	v9 =	vadd.f32 v46, v43;
	v46 =	vadd.f32 v50, v49  }
0xe7: {  	v42 =	vld [tilespmem:s25+$0xFFFFFD30];
	v13 =	vadd.f32 v55, v53;
	v5 =	vadd.f32 v5, v60  }
0xe8: {  	v58 =	vld [tilespmem:s25+$0xFFFFFFF0];
	v6 =	vadd.f32 v6, v54;
	v3 =	vadd.f32 v9, v3  }
0xe9: {  	v49 =	vld [tilespmem:s25+$0xFFFFFF80];
	v9 =	vadd.f32 v57, v56;
	v50 =	vadd.f32 v47, v46  }
0xea: {  	v7 =	vadd.f32 v7, v40;
	v56 =	vadd.f32 v38, v34;
	v57 =	vld [tilespmem:s25+$0xFFFFFFD0]  }
0xeb: {  	v16 =	vadd.f32 v50, v3;
	v3 =	vadd.f32 v11, v9;
	v9 =	vld [tilespmem:s25+$0xFFFFFF90]  }
0xec: {  	v5 =	vadd.f32 v12, v5;
	v10 =	vadd.f32 v42, v10;
	v11 =	vld [tilespmem:s25+$0xFFFFFFB0]  }
0xed: {  	s31 =	sand.u32 $0x7, s20;
	v61 =	vld [tilespmem:s25+$0x220];
	v6 =	vadd.f32 v23, v6;
	v7 =	vadd.f32 v7, v56  }
0xee: {  	s23 =	sshll.u32 s31, $0xA;
	v60 =	vld [tilespmem:s25+$0x200];
	v14 =	vadd.f32 v52, v49;
	v10 =	vadd.f32 v59, v10  }
0xef: {  	s23 =	sadd.s32 $0xF040, s23;
	v62 =	vadd.f32 v5, v3;
	v3 =	vld [tilespmem:s25+$0x240];
	v6 =	vadd.f32 v7, v6  }
0xf0: {  	[tilespmem:s23+$0x30] =	vst v1;
	v5 =	vld [tilespmem:s25+$0x260];
	v7 =	vadd.f32 v13, v14;
	v10 =	vadd.f32 v10, v0  }
0xf1: {  	[tilespmem:s23+$0x20] =	vst v2;
	v1 =	vld [tilespmem:s25+$0x210];
	v63 =	vadd.f32 v58, v57;
	v9 =	vadd.f32 v11, v9  }
0xf2: {  	v2 =	vld [tilespmem:s25+$0x230];
	[tilespmem:s23+$0xFFFFFFC0] =	vst v6;
	v11 =	vadd.f32 v7, v20  }
0xf3: {  	v0 =	vadd.f32 v62, v16;
	v6 =	vld [tilespmem:s25+$0x250];
	[tilespmem:s23+$0xFFFFFFD0] =	vst v10;
	v10 =	vadd.f32 v63, v9  }
0xf4: {  	s24 =	simm.s32 $0x0;
	v7 =	vadd.f32 v8, v15;
	v8 =	vld [tilespmem:s25+$0x270];
	s25 =	sadd.s32 $0xA00, s25;
	[tilespmem:s23+$0xFFFFFFE0] =	vst v11;
	v9 =	vadd.f32 v61, v60  }
.LBB2_3:
0xf5: {  	v11 =	vld [tilespmem:s25+$0x480];
	v4 =	vadd.f32 v10, v4;
	v3 =	vadd.f32 v5, v3  }
0xf6: {  	v5 =	vld [tilespmem:s25+$0x4A0]  }
0xf7: {  	v10 =	vld [tilespmem:s25+$0x4C0];
	[tilespmem:s23+$0xFFFFFFF0] =	vst v4;
	v3 =	vadd.f32 v3, v9;
	v1 =	vadd.f32 v2, v1  }
0xf8: {  	v2 =	vld [tilespmem:s25+$0x4E0]  }
0xf9: {  	v4 =	vld [tilespmem:s25+$0x490];
	v3 =	vadd.f32 v3, v7;
	v6 =	vadd.f32 v8, v6  }
0xfa: {  	v7 =	vld [tilespmem:s25+$0x4B0]  }
0xfb: {  	v5 =	vadd.f32 v5, v11;
	v8 =	vld [tilespmem:s25+$0x4D0];
	v1 =	vadd.f32 v6, v1;
	[tilespmem:s23+$0x0] =	vst v3  }
0xfc: {  	v3 =	vld [tilespmem:s25+$0x4F0]  }
0xfd: {  	v6 =	vld [tilespmem:s25+$0x280];
	v2 =	vadd.f32 v2, v10;
	v0 =	vadd.f32 v1, v0  }
0xfe: {  	v1 =	vld [tilespmem:s25+$0x290]  }
0xff: {  	v2 =	vadd.f32 v2, v5;
	v5 =	vld [tilespmem:s25+$0x2B0];
	[tilespmem:s23+$0x10] =	vst v0  }
0x100: {  	v0 =	vld [tilespmem:s25+$0x2D0]  }
0x101: {  	v9 =	vld [tilespmem:s25+$0x2F0]  }
0x102: {  	v10 =	vld [tilespmem:s25+$0x310]  }
0x103: {  	v11 =	vld [tilespmem:s25+$0x330]  }
0x104: {  	v12 =	vld [tilespmem:s25+$0x350]  }
0x105: {  	v13 =	vld [tilespmem:s25+$0x370]  }
0x106: {  	v14 =	vld [tilespmem:s25+$0x390]  }
0x107: {  	v15 =	vld [tilespmem:s25+$0x3B0]  }
0x108: {  	v16 =	vld [tilespmem:s25+$0x3D0]  }
0x109: {  	v17 =	vld [tilespmem:s25+$0x3F0]  }
0x10a: {  	v18 =	vld [tilespmem:s25+$0x410]  }
0x10b: {  	v19 =	vld [tilespmem:s25+$0x430]  }
0x10c: {  	v20 =	vld [tilespmem:s25+$0x450]  }
0x10d: {  	s24 =	sadd.s32 $0x4, s24;
	v21 =	vld [tilespmem:s25+$0x470]  }
0x10e: {  	p1 =	slt.u32 s24, $0x1C;
	v22 =	vld [tilespmem:s25+$0x2A0]  }
0x10f: {  	v1 =	vadd.f32 v5, v1;
	v0 =	vadd.f32 v9, v0;
	v23 =	vld [tilespmem:s25+$0x2C0]  }
0x110: {  	v9 =	vadd.f32 v11, v10;
	v10 =	vadd.f32 v13, v12;
	v5 =	vld [tilespmem:s25+$0x2E0]  }
0x111: {  	v12 =	vadd.f32 v15, v14;
	v13 =	vadd.f32 v17, v16;
	v11 =	vld [tilespmem:s25+$0x300]  }
0x112: {  	v15 =	vadd.f32 v19, v18;
	v14 =	vld [tilespmem:s25+$0x320];
	v16 =	vadd.f32 v21, v20  }
0x113: {  	v0 =	vadd.f32 v0, v1;
	v1 =	vadd.f32 v10, v9;
	v17 =	vld [tilespmem:s25+$0x340]  }
0x114: {  	v10 =	vadd.f32 v13, v12;
	v9 =	vld [tilespmem:s25+$0x360];
	v12 =	vadd.f32 v16, v15  }
0x115: {  	v4 =	vadd.f32 v7, v4;
	v3 =	vadd.f32 v3, v8;
	v13 =	vld [tilespmem:s25+$0x380]  }
0x116: {  	v0 =	vadd.f32 v1, v0;
	v7 =	vld [tilespmem:s25+$0x3A0];
	v1 =	vadd.f32 v12, v10  }
0x117: {  	v6 =	vadd.f32 v22, v6;
	v5 =	vadd.f32 v5, v23;
	v8 =	vld [tilespmem:s25+$0x3C0]  }
0x118: {  	v3 =	vadd.f32 v3, v4;
	v10 =	vld [tilespmem:s25+$0x3E0];
	v0 =	vadd.f32 v1, v0  }
0x119: {  	v4 =	vadd.f32 v14, v11;
	v1 =	vld [tilespmem:s25+$0x400];
	v9 =	vadd.f32 v9, v17  }
0x11a: {  	v5 =	vadd.f32 v5, v6;
	v11 =	vld [tilespmem:s25+$0x420];
	v0 =	vadd.f32 v3, v0  }
0x11b: {  	s23 =	sadd.s32 $0x80, s23;
	v3 =	vld [tilespmem:s25+$0x440];
	v6 =	vadd.f32 v7, v13;
	v4 =	vadd.f32 v9, v4  }
0x11c: {  	v7 =	vld [tilespmem:s25+$0x460];
	[tilespmem:s23+$0x30] =	vst v0  }
0x11d: {  	v0 =	vld [tilespmem:s25+$0xFFFFFB20];
	v8 =	vadd.f32 v10, v8;
	v4 =	vadd.f32 v4, v5  }
0x11e: {  	v5 =	vld [tilespmem:s25+$0xFFFFFB40]  }
0x11f: {  	v9 =	vld [tilespmem:s25+$0xFFFFFB60];
	v1 =	vadd.f32 v11, v1;
	v6 =	vadd.f32 v8, v6  }
0x120: {  	v8 =	vld [tilespmem:s25+$0xFFFFFB80]  }
0x121: {  	v10 =	vld [tilespmem:s25+$0xFFFFFBA0];
	v3 =	vadd.f32 v7, v3  }
0x122: {  	v7 =	vld [tilespmem:s25+$0xFFFFFBC0]  }
0x123: {  	v11 =	vld [tilespmem:s25+$0xFFFFFBE0];
	v3 =	vadd.f32 v3, v1  }
0x124: {  	v12 =	vld [tilespmem:s25+$0xFFFFFC00];
	v1 =	vadd.f32 v9, v5  }
0x125: {  	v5 =	vld [tilespmem:s25+$0xFFFFFC20];
	v3 =	vadd.f32 v3, v6  }
0x126: {  	v6 =	vld [tilespmem:s25+$0xFFFFFC40];
	v8 =	vadd.f32 v10, v8  }
0x127: {  	v9 =	vld [tilespmem:s25+$0xFFFFFC60];
	v3 =	vadd.f32 v3, v4  }
0x128: {  	v4 =	vld [tilespmem:s25+$0xFFFFFC80];
	v7 =	vadd.f32 v11, v7  }
0x129: {  	v10 =	vld [tilespmem:s25+$0xFFFFFCA0];
	v3 =	vadd.f32 v2, v3  }
0x12a: {  	v11 =	vld [tilespmem:s25+$0xFFFFFCC0];
	v5 =	vadd.f32 v5, v12;
	v2 =	vadd.f32 v7, v8  }
0x12b: {  	v7 =	vld [tilespmem:s25+$0xFFFFFCE0];
	[tilespmem:s23+$0x20] =	vst v3  }
0x12c: {  	v3 =	vadd.f32 v9, v6;
	v6 =	vld [tilespmem:s25+$0xFFFFFB10]  }
0x12d: {  	v8 =	vld [tilespmem:s25+$0xFFFFFB30]  }
0x12e: {  	v4 =	vadd.f32 v10, v4;
	v3 =	vadd.f32 v3, v5;
	v5 =	vld [tilespmem:s25+$0xFFFFFB50]  }
0x12f: {  	v9 =	vld [tilespmem:s25+$0xFFFFFB70]  }
0x130: {  	v7 =	vadd.f32 v7, v11;
	v10 =	vld [tilespmem:s25+$0xFFFFFB90]  }
0x131: {  	v11 =	vld [tilespmem:s25+$0xFFFFFBB0]  }
0x132: {  	v4 =	vadd.f32 v7, v4;
	v7 =	vld [tilespmem:s25+$0xFFFFFBD0];
	v6 =	vadd.f32 v8, v6  }
0x133: {  	v8 =	vld [tilespmem:s25+$0xFFFFFBF0]  }
0x134: {  	v3 =	vadd.f32 v4, v3;
	v4 =	vld [tilespmem:s25+$0xFFFFFC10];
	v5 =	vadd.f32 v9, v5  }
0x135: {  	v9 =	vld [tilespmem:s25+$0xFFFFFC30]  }
0x136: {  	v12 =	vld [tilespmem:s25+$0xFFFFFC50];
	v10 =	vadd.f32 v11, v10;
	v5 =	vadd.f32 v5, v6  }
0x137: {  	v6 =	vld [tilespmem:s25+$0xFFFFFC70]  }
0x138: {  	v11 =	vld [tilespmem:s25+$0xFFFFFC90];
	v7 =	vadd.f32 v8, v7  }
0x139: {  	v8 =	vld [tilespmem:s25+$0xFFFFFCB0]  }
0x13a: {  	v13 =	vld [tilespmem:s25+$0xFFFFFCD0];
	v4 =	vadd.f32 v9, v4;
	v7 =	vadd.f32 v7, v10  }
0x13b: {  	v9 =	vld [tilespmem:s25+$0xFFFFFCF0]  }
0x13c: {  	v6 =	vadd.f32 v6, v12;
	v5 =	vadd.f32 v7, v5;
	v7 =	vld [tilespmem:s25+$0xFFFFFD80]  }
0x13d: {  	v10 =	vld [tilespmem:s25+$0xFFFFFDA0]  }
0x13e: {  	v8 =	vadd.f32 v8, v11;
	v4 =	vadd.f32 v6, v4;
	v6 =	vld [tilespmem:s25+$0xFFFFFDC0]  }
0x13f: {  	v11 =	vld [tilespmem:s25+$0xFFFFFDE0]  }
0x140: {  	v9 =	vadd.f32 v9, v13;
	v12 =	vld [tilespmem:s25+$0xFFFFFE00]  }
0x141: {  	v13 =	vld [tilespmem:s25+$0xFFFFFE20]  }
0x142: {  	v8 =	vadd.f32 v9, v8;
	v9 =	vld [tilespmem:s25+$0xFFFFFE40];
	v7 =	vadd.f32 v10, v7  }
0x143: {  	v10 =	vld [tilespmem:s25+$0xFFFFFE60]  }
0x144: {  	v4 =	vadd.f32 v8, v4;
	v8 =	vld [tilespmem:s25+$0xFFFFFE80];
	v6 =	vadd.f32 v11, v6  }
0x145: {  	v11 =	vld [tilespmem:s25+$0xFFFFFEA0]  }
0x146: {  	v14 =	vld [tilespmem:s25+$0xFFFFFEC0];
	v12 =	vadd.f32 v13, v12;
	v6 =	vadd.f32 v6, v7  }
0x147: {  	v5 =	vadd.f32 v4, v5;
	v4 =	vld [tilespmem:s25+$0xFFFFFEE0]  }
0x148: {  	v7 =	vld [tilespmem:s25+$0xFFFFFF00];
	v9 =	vadd.f32 v10, v9  }
0x149: {  	v10 =	vld [tilespmem:s25+$0xFFFFFF20]  }
0x14a: {  	v13 =	vld [tilespmem:s25+$0xFFFFFF40];
	v8 =	vadd.f32 v11, v8;
	v9 =	vadd.f32 v9, v12  }
0x14b: {  	v11 =	vld [tilespmem:s25+$0xFFFFFF60]  }
0x14c: {  	v4 =	vadd.f32 v4, v14;
	v6 =	vadd.f32 v9, v6;
	v9 =	vld [tilespmem:s25+$0xFFFFFD90]  }
0x14d: {  	v12 =	vld [tilespmem:s25+$0xFFFFFDB0]  }
0x14e: {  	v7 =	vadd.f32 v10, v7;
	v4 =	vadd.f32 v4, v8;
	v8 =	vld [tilespmem:s25+$0xFFFFFDD0]  }
0x14f: {  	v10 =	vld [tilespmem:s25+$0xFFFFFDF0]  }
0x150: {  	v11 =	vadd.f32 v11, v13;
	v13 =	vld [tilespmem:s25+$0xFFFFFE10]  }
0x151: {  	v14 =	vld [tilespmem:s25+$0xFFFFFE30]  }
0x152: {  	v7 =	vadd.f32 v11, v7;
	v11 =	vld [tilespmem:s25+$0xFFFFFE50];
	v9 =	vadd.f32 v12, v9  }
0x153: {  	v12 =	vld [tilespmem:s25+$0xFFFFFE70]  }
0x154: {  	v4 =	vadd.f32 v7, v4;
	v7 =	vld [tilespmem:s25+$0xFFFFFE90];
	v8 =	vadd.f32 v10, v8  }
0x155: {  	v10 =	vld [tilespmem:s25+$0xFFFFFEB0]  }
0x156: {  	v15 =	vld [tilespmem:s25+$0xFFFFFED0];
	v13 =	vadd.f32 v14, v13;
	v8 =	vadd.f32 v8, v9  }
0x157: {  	v6 =	vadd.f32 v4, v6;
	v4 =	vld [tilespmem:s25+$0xFFFFFEF0]  }
0x158: {  	v9 =	vld [tilespmem:s25+$0xFFFFFF10];
	v11 =	vadd.f32 v12, v11  }
0x159: {  	v12 =	vld [tilespmem:s25+$0xFFFFFF30]  }
0x15a: {  	v14 =	vld [tilespmem:s25+$0xFFFFFF50];
	v7 =	vadd.f32 v10, v7;
	v10 =	vadd.f32 v11, v13  }
0x15b: {  	v11 =	vld [tilespmem:s25+$0xFFFFFF70]  }
0x15c: {  	v4 =	vadd.f32 v4, v15;
	v8 =	vadd.f32 v10, v8;
	v10 =	vld [tilespmem:s25+$0x0]  }
0x15d: {  	v13 =	vld [tilespmem:s25+$0x20]  }
0x15e: {  	v9 =	vadd.f32 v12, v9;
	v4 =	vadd.f32 v4, v7;
	v7 =	vld [tilespmem:s25+$0x40]  }
0x15f: {  	v12 =	vld [tilespmem:s25+$0x60]  }
0x160: {  	v11 =	vadd.f32 v11, v14;
	v14 =	vld [tilespmem:s25+$0x80]  }
0x161: {  	v15 =	vld [tilespmem:s25+$0xA0]  }
0x162: {  	v9 =	vadd.f32 v11, v9;
	v11 =	vld [tilespmem:s25+$0xC0];
	v10 =	vadd.f32 v13, v10  }
0x163: {  	v13 =	vld [tilespmem:s25+$0xE0]  }
0x164: {  	v4 =	vadd.f32 v9, v4;
	v9 =	vld [tilespmem:s25+$0x100];
	v7 =	vadd.f32 v12, v7  }
0x165: {  	v12 =	vld [tilespmem:s25+$0x120]  }
0x166: {  	v16 =	vld [tilespmem:s25+$0x140];
	v14 =	vadd.f32 v15, v14;
	v7 =	vadd.f32 v7, v10  }
0x167: {  	v4 =	vadd.f32 v4, v8;
	v8 =	vld [tilespmem:s25+$0x160]  }
0x168: {  	v10 =	vld [tilespmem:s25+$0x180];
	v11 =	vadd.f32 v13, v11  }
0x169: {  	v13 =	vld [tilespmem:s25+$0x1A0]  }
0x16a: {  	v15 =	vld [tilespmem:s25+$0x1C0];
	v9 =	vadd.f32 v12, v9;
	v11 =	vadd.f32 v11, v14  }
0x16b: {  	v12 =	vld [tilespmem:s25+$0x1E0]  }
0x16c: {  	v8 =	vadd.f32 v8, v16;
	v7 =	vadd.f32 v11, v7;
	v11 =	vld [tilespmem:s25+$0x10]  }
0x16d: {  	v14 =	vld [tilespmem:s25+$0x30]  }
0x16e: {  	v10 =	vadd.f32 v13, v10;
	v8 =	vadd.f32 v8, v9;
	v9 =	vld [tilespmem:s25+$0x50]  }
0x16f: {  	v13 =	vld [tilespmem:s25+$0x70]  }
0x170: {  	v12 =	vadd.f32 v12, v15;
	v15 =	vld [tilespmem:s25+$0x90]  }
0x171: {  	v16 =	vld [tilespmem:s25+$0xB0]  }
0x172: {  	v10 =	vadd.f32 v12, v10;
	v12 =	vld [tilespmem:s25+$0xD0];
	v11 =	vadd.f32 v14, v11  }
0x173: {  	v14 =	vld [tilespmem:s25+$0xF0]  }
0x174: {  	v8 =	vadd.f32 v10, v8;
	v10 =	vld [tilespmem:s25+$0x110];
	v9 =	vadd.f32 v13, v9  }
0x175: {  	v13 =	vld [tilespmem:s25+$0x130]  }
0x176: {  	v17 =	vld [tilespmem:s25+$0x150];
	v15 =	vadd.f32 v16, v15;
	v9 =	vadd.f32 v9, v11  }
0x177: {  	v7 =	vadd.f32 v8, v7;
	v8 =	vld [tilespmem:s25+$0x170]  }
0x178: {  	v11 =	vld [tilespmem:s25+$0x190];
	v12 =	vadd.f32 v14, v12  }
0x179: {  	v14 =	vld [tilespmem:s25+$0x1B0]  }
0x17a: {  	v16 =	vld [tilespmem:s25+$0x1D0];
	v10 =	vadd.f32 v13, v10;
	v12 =	vadd.f32 v12, v15  }
0x17b: {  	v13 =	vld [tilespmem:s25+$0x1F0]  }
0x17c: {  	v15 =	vld [tilespmem:s25+$0xFFFFFB00];
	v8 =	vadd.f32 v8, v17;
	v9 =	vadd.f32 v12, v9  }
0x17d: {  	v12 =	vld [tilespmem:s25+$0xFFFFFD00]  }
0x17e: {  	v17 =	vld [tilespmem:s25+$0xFFFFFD20];
	v11 =	vadd.f32 v14, v11;
	v8 =	vadd.f32 v8, v10  }
0x17f: {  	v10 =	vld [tilespmem:s25+$0xFFFFFD40]  }
0x180: {  	v14 =	vld [tilespmem:s25+$0xFFFFFD60];
	v13 =	vadd.f32 v13, v16  }
0x181: {  	v0 =	vadd.f32 v0, v15;
	v15 =	vld [tilespmem:s25+$0xFFFFFD10]  }
0x182: {  	v16 =	vld [tilespmem:s25+$0xFFFFFD30];
	v11 =	vadd.f32 v13, v11  }
0x183: {  	v12 =	vadd.f32 v17, v12;
	v0 =	vadd.f32 v1, v0;
	v1 =	vld [tilespmem:s25+$0xFFFFFD50]  }
0x184: {  	v13 =	vld [tilespmem:s25+$0xFFFFFD70];
	v8 =	vadd.f32 v11, v8  }
0x185: {  	v10 =	vadd.f32 v14, v10;
	v2 =	vadd.f32 v2, v0;
	v11 =	vld [tilespmem:s25+$0xFFFFFF80]  }
0x186: {  	v14 =	vld [tilespmem:s25+$0xFFFFFFA0];
	v0 =	vadd.f32 v8, v9  }
0x187: {  	v2 =	vadd.f32 v3, v2;
	v3 =	vadd.f32 v16, v15;
	v8 =	vld [tilespmem:s25+$0xFFFFFFC0]  }
0x188: {  	v9 =	vadd.f32 v10, v12;
	v10 =	vld [tilespmem:s25+$0xFFFFFFE0]  }
0x189: {  	v1 =	vadd.f32 v13, v1;
	v12 =	vld [tilespmem:s25+$0xFFFFFF90]  }
0x18a: {  	v2 =	vadd.f32 v9, v2;
	v9 =	vld [tilespmem:s25+$0xFFFFFFB0]  }
0x18b: {  	v1 =	vadd.f32 v1, v3;
	v3 =	vadd.f32 v14, v11;
	v11 =	vld [tilespmem:s25+$0xFFFFFFD0]  }
0x18c: {  	[tilespmem:s23+$0xFFFFFFC0] =	vst v2;
	v2 =	vld [tilespmem:s25+$0xFFFFFFF0]  }
0x18d: {  	v1 =	vadd.f32 v1, v5;
	v5 =	vadd.f32 v10, v8;
	v8 =	vld [tilespmem:s25+$0x200]  }
0x18e: {  	v13 =	vld [tilespmem:s25+$0x220]  }
0x18f: {  	[tilespmem:s23+$0xFFFFFFD0] =	vst v1;
	v1 =	vadd.f32 v5, v3;
	v9 =	vadd.f32 v9, v12;
	v3 =	vld [tilespmem:s25+$0x240]  }
.Ltmp0:
0x190: {  	v5 =	vld [tilespmem:s25+$0x260];
	(pc) =	sbr.rel @p1 .LBB2_3-.Ltmp0, $4  }
0x191: {  	v6 =	vadd.f32 v1, v6;
	v10 =	vadd.f32 v2, v11;
	v1 =	vld [tilespmem:s25+$0x210]  }
0x192: {  	v2 =	vld [tilespmem:s25+$0x230]  }
0x193: {  	v10 =	vadd.f32 v10, v9;
	[tilespmem:s23+$0xFFFFFFE0] =	vst v6;
	v9 =	vadd.f32 v13, v8;
	v6 =	vld [tilespmem:s25+$0x250]  }
0x194: {  	v8 =	vld [tilespmem:s25+$0x270];
	s25 =	sadd.s32 $0xA00, s25  }
0x195: {  	_ =	sdelay $0x2  }
0x196: {  	v3 =	vadd.f32 v5, v3  }
0x197: {  	s24 =	sand.u32 $0x7, s22;
	v1 =	vadd.f32 v2, v1;
	v62 =	vadd.f32 v8, v6  }
0x198: {  	p1 =	sne.s32 s24, $0x7;
	v3 =	vadd.f32 v3, v9  }
0x199: {  	v4 =	vadd.f32 v10, v4;
	s22 =	sshll.u32 @!p1 s22, $0x2;
	v1 =	vadd.f32 v62, v1  }
0x19a: {  	s22 =	sand.u32 @!p1 $0x60, s22;
	v63 =	vadd.f32 v3, v7  }
0x19b: {  	[tilespmem:s23+$0xFFFFFFF0] =	vst v4;
	s22 =	sor.u32 @!p1 s6, s22;
	v0 =	vadd.f32 v1, v0  }
0x19c: {  	p2 =	sne.s32 s21, $0x20;
	s24 =	simm.s32 @!p1 $0x80;
	s22 =	sshrl.u32 @!p1 s22, $0x3;
	[tilespmem:s23+$0x0] =	vst v63  }
0x19d: {  	s25 =	simm.s32 @!p1 $0xF000;
	s22 =	sadd.s32 @!p1 s2, s22;
	[tilespmem:s23+$0x10] =	vst v0;
	s23 =	simm.s32 @!p1 $0x20  }
0x19e: {  	[hbm4b:s22+s23] =	stream.strided.scatter @!p1 [tilespmem:s25], [sflag:$0x2], $0x2000, s24, s23, $0x38;
	[tilespmem:$0x11000] =	vst v63  }
.Ltmp1:
0x19f: {  	_ = 	snop;
	(pc) =	sbr.rel @p2 .LBB2_2-.Ltmp1, $4  }
0x1a0: {  	s22 =	simm.s32 @!p1 $0x2  }
0x1a1: {  	_ =	swait.ge @!p1 [sflag:s22], $0x2000  }
0x1a2: {  	s20 =	sadd.s32 $0x1, s20;
	[sflag:s22] =	ssyncset.done @!p1 $0x0  }
0x1a3: {  	p0 =	por !p0, !p0;
	[sflag:s22] =	ssyncadd.s32 @!p1 $0xFFFFE000;
	s22 =	smov.u32 s21  }
0x1a4: {  	s19 =	sadd.s32 $0x1, s19  }
0x1a5: {  	p0 =	sne.s32 s19, s7  }
.Ltmp2:
0x1a6: {  	_ = 	snop;
	(pc) =	sbr.rel @p0 .LBB2_1-.Ltmp2, $1  }
0x1a7: {  	_ =	sdelay $0x3  }
0x1a8: {  	_ =	sfence.sel $0x180000  }
0x1a9: {  	[bflag:$0x0] =	sbarrier.arrive $0xFFFF  }
0x1aa: {  	p0 =	sne.s32 s0, $0x0;
	_ =	strace $0x90000047  }
0x1ab: {  	s0 =	sadd.s32 @!p0 $0x100000, s1;
	[bflag:$0x2] =	sbarrier.arrive $0xFFFF  }
0x1ac: {  	[sflag:s0] =	ssyncadd.tile.s32 @!p0 $0x1;
	_ =	shalt  }
.Lfunc_end2:
_tile_overlayer_lowered:
.L_overlay_start_2:
0x1ad: {  	(tag) =	ssettag $0x2  }
0x1ae: {  	s0 =	rddreg [dreg:$0x0];
	s2 =	stileid.u32  }
0x1af: {  	s1 =	rddreg [dreg:$0x1];
	p0 =	sne.s32 s2, $0x0  }
0x1b0: {  	s3 =	rddreg [dreg:$0x2];
	[bflag:$0x3] =	sbarrier.arrive $0xFFFF;
	s2 =	simm.s32 @!p0 $0x1C02  }
0x1b1: {  	[timem:s3], [sflag:s2] =	dma.local @!p0 [hbm:s0], s1  }
0x1b2: {  	s0 =	simm.s32 @!p0 $0x2  }
0x1b3: {  	_ =	swait.ge @!p0 [sflag:s0], s1  }
0x1b4: {  	s1 =	ssub.s32 @!p0 $0x0, s1;
	[sflag:s0] =	ssyncset.done @!p0 $0x0  }
0x1b5: {  	[sflag:s0] =	ssyncadd.s32 @!p0 s1  }
0x1b6: {  	[bflag:$0x3] =	sbarrier.arrive $0xFFFF  }
0x1b7: {  	_ =	shalt  }

</sc_bundles>
